<compile_context>
chip_gen: v7x
topology: tpu7x:2x2x1
jax: 0.10.2.dev20260603
libtpu: 0.0.44.dev20260713+nightly
codegen_flags: <defaults>
</compile_context>

<pallas_src>
import functools

import jax
import jax.numpy as jnp
from jax import lax
from jax.experimental import pallas as pl
from jax.experimental.pallas import tpu as pltpu
from jax.experimental.pallas import tpu_sc as plsc

GROUPS = 8
K = 32
EPS = 1e-5
RB = 2048
NW = 32


def _elu(x):
    return jnp.where(x > 0, x, jnp.exp(x) - 1.0)


def _gn_affine(s, q, gamma, beta, gsize, count):
    c = s.shape[0]
    rg = lax.broadcasted_iota(jnp.int32, (c, c), 0) // gsize
    cg = lax.broadcasted_iota(jnp.int32, (c, c), 1) // gsize
    gmat = jnp.where(rg == cg, jnp.float32(1.0 / count), jnp.float32(0.0))
    dn = (((1,), (0,)), ((), ()))
    mean = lax.dot_general(gmat, s, dn, preferred_element_type=jnp.float32)
    ex2 = lax.dot_general(gmat, q, dn, preferred_element_type=jnp.float32)
    var = ex2 - mean * mean
    sc = gamma * lax.rsqrt(var + EPS)
    sh = beta - mean * sc
    return sc, sh


def _topk_body(xtb_ref, xp_ref, idx_ref, d2_s):
    n = xp_ref.shape[0]
    nb = n // RB
    dn = (((1,), (0,)), ((), ()))
    f32 = jnp.float32

    bidx = pl.program_id(0)
    xp = xp_ref[...]
    sqc = jnp.sum(xp * xp, axis=1, keepdims=True)
    io = lax.broadcasted_iota(jnp.int32, (n, RB), 0)
    inf = f32(jnp.inf)

    def _argmin(d2v):
        return jnp.argmin(d2v, axis=0).reshape(1, RB)

    def _block(rb, _):
        xrb = xtb_ref[rb]
        sqr = jnp.sum(xrb * xrb, axis=0, keepdims=True)
        d = lax.dot_general(xp, xrb, dn, preferred_element_type=f32)
        d2_s[...] = sqc + sqr - 2.0 * d

        d2v = d2_s[...]
        j = _argmin(d2v)
        d2_s[...] = jnp.where(io == j, inf, d2v)

        def _it(k, _c):
            d2v = d2_s[...]
            j = _argmin(d2v)
            d2_s[...] = jnp.where(io == j, inf, d2v)
            idx_ref[k, rb] = j + bidx * n
            return 0

        lax.fori_loop(0, K, _it, 0)
        return 0

    lax.fori_loop(0, nb, _block, 0)


def _conv_body(xt_ref, nbrs_ref, a1_ref, wd1_ref, b1_ref, g1_ref, be1_ref,
               w11_ref, b11_ref, g11_ref, be11_ref,
               w20_ref, b20_ref, g20_ref, be20_ref,
               w21_ref, b21_ref, g21_ref, be21_ref,
               out_ref, pooled_s, f1_s):
    n = xt_ref.shape[1]
    dn = (((1,), (0,)), ((), ()))
    f32 = jnp.float32
    inf = f32(jnp.inf)

    p1 = lax.dot_general(a1_ref[...], xt_ref[...], dn,
                         preferred_element_type=f32)
    p1 = p1 + b1_ref[...]
    wd1 = wd1_ref[...]

    def _bb(k, carry):
        s1, q1 = carry
        f1 = p1 + lax.dot_general(wd1, nbrs_ref[k], dn,
                                  preferred_element_type=f32)
        f1_s[k] = f1
        return (s1 + jnp.sum(f1, axis=1, keepdims=True),
                q1 + jnp.sum(f1 * f1, axis=1, keepdims=True))

    s1, q1 = lax.fori_loop(0, K, _bb, (jnp.zeros((32, 1), f32),
                                       jnp.zeros((32, 1), f32)))
    sc1, sh1 = _gn_affine(s1, q1, g1_ref[...], be1_ref[...], 4, 4 * n * K)

    pooled_s[...] = jnp.full((64, n), -inf, f32)
    w11 = w11_ref[...]
    b11 = b11_ref[...]

    def _bd(k, carry):
        s2, q2 = carry
        e1 = _elu(f1_s[k] * sc1 + sh1)
        f2 = lax.dot_general(w11, e1, dn, preferred_element_type=f32) + b11
        pooled_s[...] = jnp.maximum(pooled_s[...], f2)
        return (s2 + jnp.sum(f2, axis=1, keepdims=True),
                q2 + jnp.sum(f2 * f2, axis=1, keepdims=True))

    s2, q2 = lax.fori_loop(0, K, _bd, (jnp.zeros((64, 1), f32),
                                       jnp.zeros((64, 1), f32)))
    sc2, sh2 = _gn_affine(s2, q2, g11_ref[...], be11_ref[...], 8, 8 * n * K)

    h2 = _elu(pooled_s[...] * sc2 + sh2)

    f3 = lax.dot_general(w20_ref[...], h2, dn,
                         preferred_element_type=f32) + b20_ref[...]
    s3 = jnp.sum(f3, axis=1, keepdims=True)
    q3 = jnp.sum(f3 * f3, axis=1, keepdims=True)
    sc3, sh3 = _gn_affine(s3, q3, g20_ref[...], be20_ref[...], 16, 16 * n)
    h3 = _elu(f3 * sc3 + sh3)

    f4 = lax.dot_general(w21_ref[...], h3, dn,
                         preferred_element_type=f32) + b21_ref[...]
    s4 = jnp.sum(f4, axis=1, keepdims=True)
    q4 = jnp.sum(f4 * f4, axis=1, keepdims=True)
    sc4, sh4 = _gn_affine(s4, q4, g21_ref[...], be21_ref[...], 32, 32 * n)
    out_ref[...] = _elu(f4 * sc4 + sh4)


def _sc_gather(table, idx):
    e = idx.shape[0]
    per_w = e // NW
    ch = 4096
    nch = per_w // ch
    mesh = plsc.VectorSubcoreMesh(core_axis_name="c", subcore_axis_name="s")

    @functools.partial(
        pl.kernel, mesh=mesh,
        out_type=jax.ShapeDtypeStruct((e, 16), jnp.float32),
        scratch_types=[
            pltpu.VMEM((ch,), jnp.int32),
            pltpu.VMEM((ch, 16), jnp.float32),
            pltpu.SemaphoreType.DMA,
        ],
        compiler_params=pltpu.CompilerParams(use_tc_tiling_on_sc=False),
    )
    def _k(table_hbm, idx_hbm, out_hbm, idx_v, rows_v, sem):
        wid = lax.axis_index("s") * 2 + lax.axis_index("c")
        for c in range(nch):
            base = wid * per_w + c * ch
            pltpu.sync_copy(idx_hbm.at[pl.ds(base, ch)], idx_v)
            pltpu.async_copy(table_hbm.at[idx_v], rows_v, sem).wait()
            pltpu.sync_copy(rows_v, out_hbm.at[pl.ds(base, ch)])

    return _k(table, idx)


@jax.jit
def kernel(points, W1_0, b1_0, g1_0, be1_0, W1_1, b1_1, g1_1, be1_1,
           W2_0, b2_0, g2_0, be2_0, W2_1, b2_1, g2_1, be2_1):
    f32 = jnp.float32
    b, _, n = points.shape
    nb = n // RB
    xt = jnp.concatenate([points, jnp.zeros((b, 5, n), f32)], axis=1)
    xp = jnp.transpose(xt, (0, 2, 1))
    xtb = jnp.transpose(xt.reshape(b, 8, nb, RB), (0, 2, 1, 3))

    idx = pl.pallas_call(
        _topk_body,
        grid=(b,),
        in_specs=[
            pl.BlockSpec((None, nb, 8, RB), lambda i: (i, 0, 0, 0)),
            pl.BlockSpec((None, n, 8), lambda i: (i, 0, 0)),
        ],
        out_specs=pl.BlockSpec((None, K, nb, 1, RB), lambda i: (i, 0, 0, 0, 0)),
        out_shape=jax.ShapeDtypeStruct((b, K, nb, 1, RB), jnp.int32),
        scratch_shapes=[pltpu.VMEM((n, RB), f32)],
        compiler_params=pltpu.CompilerParams(
            vmem_limit_bytes=100 * 1024 * 1024),
    )(xtb, xp)

    table = jnp.pad(xp, ((0, 0), (0, 0), (0, 8))).reshape(b * n, 16)
    nbr_rows = _sc_gather(table, idx.reshape(b * K * n))
    nbrs = jnp.transpose(nbr_rows.reshape(b, K, n, 16), (0, 1, 3, 2))

    wp, wd = W1_0[:, :3], W1_0[:, 3:]
    a1 = jnp.pad(wp - wd, ((0, 0), (0, 5)))
    wd1 = jnp.pad(wd, ((0, 0), (0, 13)))
    col = lambda v: v.reshape(-1, 1)
    wspec = lambda shp: pl.BlockSpec(shp, lambda i: (0, 0))

    out = pl.pallas_call(
        _conv_body,
        grid=(b,),
        in_specs=[
            pl.BlockSpec((None, 8, n), lambda i: (i, 0, 0)),
            pl.BlockSpec((None, K, 16, n), lambda i: (i, 0, 0, 0)),
            wspec((32, 8)), wspec((32, 16)),
            wspec((32, 1)), wspec((32, 1)), wspec((32, 1)),
            wspec((64, 32)),
            wspec((64, 1)), wspec((64, 1)), wspec((64, 1)),
            wspec((128, 64)),
            wspec((128, 1)), wspec((128, 1)), wspec((128, 1)),
            wspec((256, 128)),
            wspec((256, 1)), wspec((256, 1)), wspec((256, 1)),
        ],
        out_specs=pl.BlockSpec((None, 256, n), lambda i: (i, 0, 0)),
        out_shape=jax.ShapeDtypeStruct((b, 256, n), f32),
        scratch_shapes=[pltpu.VMEM((64, n), f32),
                        pltpu.VMEM((K, 32, n), f32)],
        compiler_params=pltpu.CompilerParams(
            vmem_limit_bytes=100 * 1024 * 1024),
    )(xt, nbrs, a1, wd1,
      col(b1_0), col(g1_0), col(be1_0),
      W1_1, col(b1_1), col(g1_1), col(be1_1),
      W2_0, col(b2_0), col(g2_0), col(be2_0),
      W2_1, col(b2_1), col(g2_1), col(be2_1))
    return out

# --- scband reference (transcript-rebuilt; emitter-appended) ---
"""Pipeline reference for scband-absolute-relative-position-embedding-6253472383724 (READ-ONLY COPY).

The authoritative reference and input builder live on the scoring server;
editing this copy changes nothing except your own understanding.
"""

import jax, jax.numpy as jnp
import numpy as np

GROUPS = 8
K = 32
DILATION = 1
IGN = 1
EPS = 1e-5
B, N = 8, 2048
DIMS1 = [(6, 32), (32, 64)]
DIMS2 = [(64, 128), (128, 256)]


def _group_norm(x, gamma, beta):
    b, c = x.shape[0], x.shape[1]
    xr = x.reshape(b, GROUPS, -1)
    mean = xr.mean(axis=2, keepdims=True)
    var = xr.var(axis=2, keepdims=True)
    xr = (xr - mean) * jax.lax.rsqrt(var + EPS)
    x = xr.reshape(x.shape)
    shp = (1, c) + (1,) * (x.ndim - 2)
    return x * gamma.reshape(shp) + beta.reshape(shp)


def _knn_graph(points):
    # points: [B, 3, N] -> neighbors: [B, 3, N, K]
    x = jnp.transpose(points, (0, 2, 1))  # [B, N, 3]
    sq = jnp.sum(x * x, axis=-1)  # [B, N]
    d2 = sq[:, :, None] + sq[:, None, :] - 2.0 * jnp.einsum('bnd,bmd->bnm', x, x)
    _, idx = jax.lax.top_k(-d2, K * DILATION + IGN)
    idx = idx[:, :, IGN:]  # drop self (ignore_nearest=True)
    idx = idx[:, :, ::DILATION][:, :, :K]
    nbrs = jax.vmap(lambda xt, ix: xt[ix])(x, idx)  # [B, N, K, 3]
    return jnp.transpose(nbrs, (0, 3, 1, 2))


def setup_inputs(seed: int = 0):
    key = jax.random.key(seed)
    ks = jax.random.split(key, 16)
    inp = {"points": jax.random.normal(ks[0], (B, 3, N), dtype=jnp.float32)}
    i = 1
    for j, (cin, cout) in enumerate(DIMS1):
        inp["W1_%d" % j] = jax.random.normal(ks[i], (cout, cin), dtype=jnp.float32) * (2.0 / cin) ** 0.5
        inp["b1_%d" % j] = jnp.zeros((cout,), dtype=jnp.float32)
        inp["g1_%d" % j] = jnp.ones((cout,), dtype=jnp.float32)
        inp["be1_%d" % j] = jnp.zeros((cout,), dtype=jnp.float32)
        i += 1
    for j, (cin, cout) in enumerate(DIMS2):
        inp["W2_%d" % j] = jax.random.normal(ks[i], (cout, cin), dtype=jnp.float32) * (2.0 / cin) ** 0.5
        inp["b2_%d" % j] = jnp.zeros((cout,), dtype=jnp.float32)
        inp["g2_%d" % j] = jnp.ones((cout,), dtype=jnp.float32)
        inp["be2_%d" % j] = jnp.zeros((cout,), dtype=jnp.float32)
        i += 1
    return inp


def _forward(points, params1, params2):
    nbrs = _knn_graph(points)  # [B, 3, N, K]
    p = jnp.broadcast_to(points[:, :, :, None], points.shape + (K,))
    feat = jnp.concatenate([p, nbrs - p], axis=1)  # [B, 6, N, K]
    for (W, bb, g, be) in params1:
        feat = jnp.einsum('oc,bcnk->bonk', W, feat) + bb.reshape(1, -1, 1, 1)
        feat = jax.nn.elu(_group_norm(feat, g, be))
    feat = feat.max(axis=3)  # [B, C, N]
    for (W, bb, g, be) in params2:
        feat = jnp.einsum('oc,bcn->bon', W, feat) + bb.reshape(1, -1, 1)
        feat = jax.nn.elu(_group_norm(feat, g, be))
    return feat


def reference(points, W1_0, b1_0, g1_0, be1_0, W1_1, b1_1, g1_1, be1_1, W2_0, b2_0, g2_0, be2_0, W2_1, b2_1, g2_1, be2_1):
    params1 = [(W1_0, b1_0, g1_0, be1_0), (W1_1, b1_1, g1_1, be1_1)]
    params2 = [(W2_0, b2_0, g2_0, be2_0), (W2_1, b2_1, g2_1, be2_1)]
    return _forward(points, params1, params2)

if __name__ == "__main__":
    import jax
    _d = setup_inputs()
    print(jax.jit(kernel)(*tuple(_d.values())))

</pallas_src>

<mosaic_0001>
#map = affine_map<(d0, d1) -> (0, 0)>
#map1 = affine_map<(d0, d1) -> (0)>
module attributes {stable_mosaic.version = 14 : i64} {
  func.func @_k(%arg0: i32, %arg1: i32, %arg2: memref<16384x16xf32, #tpu.memory_space<hbm>>, %arg3: memref<524288xi32, #tpu.memory_space<hbm>>, %arg4: memref<524288x16xf32, #tpu.memory_space<hbm>>, %arg5: memref<4096xi32, #tpu.memory_space<vmem>>, %arg6: memref<4096x16xf32, #tpu.memory_space<vmem>>, %arg7: memref<!tpu.dma_semaphore, #tpu.memory_space<semaphore_mem>>) attributes {dimension_semantics = [#tpu.dimension_semantics<core_parallel>, #tpu.dimension_semantics<subcore_parallel>], iteration_bounds = array<i64: 2, 16>, scalar_prefetch = 0 : i64, scratch_operands = 3 : i64, tpu.core_type = #tpu.core_type<sc_vector_subcore>, window_params = [{transform_indices = #map}, {transform_indices = #map1}, {transform_indices = #map}]} {
    %mul3A = arith.constant 2 : i32
    %mul3A_0 = arith.muli %arg1, %mul3A : i32
    %add3A = arith.addi %mul3A_0, %arg0 : i32
    %mul3A_1 = arith.constant 16384 : i32
    %mul3A_2 = arith.muli %add3A, %mul3A_1 : i32
    %add3A_3 = arith.constant 0 : i32
    %add3A_4 = arith.addi %mul3A_2, %add3A_3 : i32
    "tpu.region"() ({
      %run_scoped3A = tpu.sem_alloc : memref<!tpu.dma_semaphore, #tpu.memory_space<semaphore_mem>>
      %dma_start3A_39 = tpu.memref_slice %arg3[%add3A_4] : memref<524288xi32, #tpu.memory_space<hbm>> -> memref<4096xi32, #tpu.memory_space<hbm>>
      %dma_start3A_40 = tpu.memref_slice %arg3[%add3A_4] : memref<524288xi32, #tpu.memory_space<hbm>> -> memref<4096xi32, #tpu.memory_space<hbm>>
      tpu.enqueue_dma source(%dma_start3A_40 : memref<4096xi32, #tpu.memory_space<hbm>>) target(%arg5 : memref<4096xi32, #tpu.memory_space<vmem>>) target_semaphore(%run_scoped3A : memref<!tpu.dma_semaphore, #tpu.memory_space<semaphore_mem>>)
      %dma_wait3A_41 = tpu.memref_slice %arg3[%add3A_4] : memref<524288xi32, #tpu.memory_space<hbm>> -> memref<4096xi32, #tpu.memory_space<hbm>>
      %dma_wait3A_42 = tpu.memref_slice %arg3[%add3A_4] : memref<524288xi32, #tpu.memory_space<hbm>> -> memref<4096xi32, #tpu.memory_space<hbm>>
      tpu.wait_dma2 semaphore(%run_scoped3A : memref<!tpu.dma_semaphore, #tpu.memory_space<semaphore_mem>>) src(%dma_wait3A_42 : memref<4096xi32, #tpu.memory_space<hbm>>) dst(%arg5 : memref<4096xi32, #tpu.memory_space<vmem>>)
      tpu.yield
    }) : () -> ()
    %dma_start3A = arith.constant 0 : i32
    %dma_start3A_5 = arith.constant 0 : i32
    %dma_start3A_6 = tpu.memref_slice %arg2[%dma_start3A, %dma_start3A_5] : memref<16384x16xf32, #tpu.memory_space<hbm>> -> memref<16384x16xf32, #tpu.memory_space<hbm>>
    tpu.enqueue_indirect_dma source(%dma_start3A_6 : memref<16384x16xf32, #tpu.memory_space<hbm>>) target(%arg6 : memref<4096x16xf32, #tpu.memory_space<vmem>>) offsets(%arg5 : memref<4096xi32, #tpu.memory_space<vmem>>) semaphore(%arg7 : memref<!tpu.dma_semaphore, #tpu.memory_space<semaphore_mem>>)
    %dma_wait3A = arith.constant 0 : i32
    %dma_wait3A_7 = arith.constant 0 : i32
    %dma_wait3A_8 = tpu.memref_slice %arg2[%dma_wait3A, %dma_wait3A_7] : memref<16384x16xf32, #tpu.memory_space<hbm>> -> memref<16384x16xf32, #tpu.memory_space<hbm>>
    tpu.wait_indirect_dma semaphore(%arg7 : memref<!tpu.dma_semaphore, #tpu.memory_space<semaphore_mem>>) src(%dma_wait3A_8 : memref<16384x16xf32, #tpu.memory_space<hbm>>) dst(%arg6 : memref<4096x16xf32, #tpu.memory_space<vmem>>)
    "tpu.region"() ({
      %run_scoped3A = tpu.sem_alloc : memref<!tpu.dma_semaphore, #tpu.memory_space<semaphore_mem>>
      %dma_start3A_39 = arith.constant 0 : i32
      %dma_start3A_40 = tpu.memref_slice %arg4[%add3A_4, %dma_start3A_39] : memref<524288x16xf32, #tpu.memory_space<hbm>> -> memref<4096x16xf32, #tpu.memory_space<hbm>>
      %dma_start3A_41 = arith.constant 0 : i32
      %dma_start3A_42 = tpu.memref_slice %arg4[%add3A_4, %dma_start3A_41] : memref<524288x16xf32, #tpu.memory_space<hbm>> -> memref<4096x16xf32, #tpu.memory_space<hbm>>
      tpu.enqueue_dma source(%arg6 : memref<4096x16xf32, #tpu.memory_space<vmem>>) target(%dma_start3A_42 : memref<4096x16xf32, #tpu.memory_space<hbm>>) target_semaphore(%run_scoped3A : memref<!tpu.dma_semaphore, #tpu.memory_space<semaphore_mem>>)
      %dma_wait3A_43 = arith.constant 0 : i32
      %dma_wait3A_44 = tpu.memref_slice %arg4[%add3A_4, %dma_wait3A_43] : memref<524288x16xf32, #tpu.memory_space<hbm>> -> memref<4096x16xf32, #tpu.memory_space<hbm>>
      %dma_wait3A_45 = arith.constant 0 : i32
      %dma_wait3A_46 = tpu.memref_slice %arg4[%add3A_4, %dma_wait3A_45] : memref<524288x16xf32, #tpu.memory_space<hbm>> -> memref<4096x16xf32, #tpu.memory_space<hbm>>
      tpu.wait_dma2 semaphore(%run_scoped3A : memref<!tpu.dma_semaphore, #tpu.memory_space<semaphore_mem>>) src(%arg6 : memref<4096x16xf32, #tpu.memory_space<vmem>>) dst(%dma_wait3A_46 : memref<4096x16xf32, #tpu.memory_space<hbm>>)
      tpu.yield
    }) : () -> ()
    %mul3A_9 = arith.constant 16384 : i32
    %mul3A_10 = arith.muli %add3A, %mul3A_9 : i32
    %add3A_11 = arith.constant 4096 : i32
    %add3A_12 = arith.addi %mul3A_10, %add3A_11 : i32
    "tpu.region"() ({
      %run_scoped3A = tpu.sem_alloc : memref<!tpu.dma_semaphore, #tpu.memory_space<semaphore_mem>>
      %dma_start3A_39 = tpu.memref_slice %arg3[%add3A_12] : memref<524288xi32, #tpu.memory_space<hbm>> -> memref<4096xi32, #tpu.memory_space<hbm>>
      %dma_start3A_40 = tpu.memref_slice %arg3[%add3A_12] : memref<524288xi32, #tpu.memory_space<hbm>> -> memref<4096xi32, #tpu.memory_space<hbm>>
      tpu.enqueue_dma source(%dma_start3A_40 : memref<4096xi32, #tpu.memory_space<hbm>>) target(%arg5 : memref<4096xi32, #tpu.memory_space<vmem>>) target_semaphore(%run_scoped3A : memref<!tpu.dma_semaphore, #tpu.memory_space<semaphore_mem>>)
      %dma_wait3A_41 = tpu.memref_slice %arg3[%add3A_12] : memref<524288xi32, #tpu.memory_space<hbm>> -> memref<4096xi32, #tpu.memory_space<hbm>>
      %dma_wait3A_42 = tpu.memref_slice %arg3[%add3A_12] : memref<524288xi32, #tpu.memory_space<hbm>> -> memref<4096xi32, #tpu.memory_space<hbm>>
      tpu.wait_dma2 semaphore(%run_scoped3A : memref<!tpu.dma_semaphore, #tpu.memory_space<semaphore_mem>>) src(%dma_wait3A_42 : memref<4096xi32, #tpu.memory_space<hbm>>) dst(%arg5 : memref<4096xi32, #tpu.memory_space<vmem>>)
      tpu.yield
    }) : () -> ()
    %dma_start3A_13 = arith.constant 0 : i32
    %dma_start3A_14 = arith.constant 0 : i32
    %dma_start3A_15 = tpu.memref_slice %arg2[%dma_start3A_13, %dma_start3A_14] : memref<16384x16xf32, #tpu.memory_space<hbm>> -> memref<16384x16xf32, #tpu.memory_space<hbm>>
    tpu.enqueue_indirect_dma source(%dma_start3A_15 : memref<16384x16xf32, #tpu.memory_space<hbm>>) target(%arg6 : memref<4096x16xf32, #tpu.memory_space<vmem>>) offsets(%arg5 : memref<4096xi32, #tpu.memory_space<vmem>>) semaphore(%arg7 : memref<!tpu.dma_semaphore, #tpu.memory_space<semaphore_mem>>)
    %dma_wait3A_16 = arith.constant 0 : i32
    %dma_wait3A_17 = arith.constant 0 : i32
    %dma_wait3A_18 = tpu.memref_slice %arg2[%dma_wait3A_16, %dma_wait3A_17] : memref<16384x16xf32, #tpu.memory_space<hbm>> -> memref<16384x16xf32, #tpu.memory_space<hbm>>
    tpu.wait_indirect_dma semaphore(%arg7 : memref<!tpu.dma_semaphore, #tpu.memory_space<semaphore_mem>>) src(%dma_wait3A_18 : memref<16384x16xf32, #tpu.memory_space<hbm>>) dst(%arg6 : memref<4096x16xf32, #tpu.memory_space<vmem>>)
    "tpu.region"() ({
      %run_scoped3A = tpu.sem_alloc : memref<!tpu.dma_semaphore, #tpu.memory_space<semaphore_mem>>
      %dma_start3A_39 = arith.constant 0 : i32
      %dma_start3A_40 = tpu.memref_slice %arg4[%add3A_12, %dma_start3A_39] : memref<524288x16xf32, #tpu.memory_space<hbm>> -> memref<4096x16xf32, #tpu.memory_space<hbm>>
      %dma_start3A_41 = arith.constant 0 : i32
      %dma_start3A_42 = tpu.memref_slice %arg4[%add3A_12, %dma_start3A_41] : memref<524288x16xf32, #tpu.memory_space<hbm>> -> memref<4096x16xf32, #tpu.memory_space<hbm>>
      tpu.enqueue_dma source(%arg6 : memref<4096x16xf32, #tpu.memory_space<vmem>>) target(%dma_start3A_42 : memref<4096x16xf32, #tpu.memory_space<hbm>>) target_semaphore(%run_scoped3A : memref<!tpu.dma_semaphore, #tpu.memory_space<semaphore_mem>>)
      %dma_wait3A_43 = arith.constant 0 : i32
      %dma_wait3A_44 = tpu.memref_slice %arg4[%add3A_12, %dma_wait3A_43] : memref<524288x16xf32, #tpu.memory_space<hbm>> -> memref<4096x16xf32, #tpu.memory_space<hbm>>
      %dma_wait3A_45 = arith.constant 0 : i32
      %dma_wait3A_46 = tpu.memref_slice %arg4[%add3A_12, %dma_wait3A_45] : memref<524288x16xf32, #tpu.memory_space<hbm>> -> memref<4096x16xf32, #tpu.memory_space<hbm>>
      tpu.wait_dma2 semaphore(%run_scoped3A : memref<!tpu.dma_semaphore, #tpu.memory_space<semaphore_mem>>) src(%arg6 : memref<4096x16xf32, #tpu.memory_space<vmem>>) dst(%dma_wait3A_46 : memref<4096x16xf32, #tpu.memory_space<hbm>>)
      tpu.yield
    }) : () -> ()
    %mul3A_19 = arith.constant 16384 : i32
    %mul3A_20 = arith.muli %add3A, %mul3A_19 : i32
    %add3A_21 = arith.constant 8192 : i32
    %add3A_22 = arith.addi %mul3A_20, %add3A_21 : i32
    "tpu.region"() ({
      %run_scoped3A = tpu.sem_alloc : memref<!tpu.dma_semaphore, #tpu.memory_space<semaphore_mem>>
      %dma_start3A_39 = tpu.memref_slice %arg3[%add3A_22] : memref<524288xi32, #tpu.memory_space<hbm>> -> memref<4096xi32, #tpu.memory_space<hbm>>
      %dma_start3A_40 = tpu.memref_slice %arg3[%add3A_22] : memref<524288xi32, #tpu.memory_space<hbm>> -> memref<4096xi32, #tpu.memory_space<hbm>>
      tpu.enqueue_dma source(%dma_start3A_40 : memref<4096xi32, #tpu.memory_space<hbm>>) target(%arg5 : memref<4096xi32, #tpu.memory_space<vmem>>) target_semaphore(%run_scoped3A : memref<!tpu.dma_semaphore, #tpu.memory_space<semaphore_mem>>)
      %dma_wait3A_41 = tpu.memref_slice %arg3[%add3A_22] : memref<524288xi32, #tpu.memory_space<hbm>> -> memref<4096xi32, #tpu.memory_space<hbm>>
      %dma_wait3A_42 = tpu.memref_slice %arg3[%add3A_22] : memref<524288xi32, #tpu.memory_space<hbm>> -> memref<4096xi32, #tpu.memory_space<hbm>>
      tpu.wait_dma2 semaphore(%run_scoped3A : memref<!tpu.dma_semaphore, #tpu.memory_space<semaphore_mem>>) src(%dma_wait3A_42 : memref<4096xi32, #tpu.memory_space<hbm>>) dst(%arg5 : memref<4096xi32, #tpu.memory_space<vmem>>)
      tpu.yield
    }) : () -> ()
    %dma_start3A_23 = arith.constant 0 : i32
    %dma_start3A_24 = arith.constant 0 : i32
    %dma_start3A_25 = tpu.memref_slice %arg2[%dma_start3A_23, %dma_start3A_24] : memref<16384x16xf32, #tpu.memory_space<hbm>> -> memref<16384x16xf32, #tpu.memory_space<hbm>>
    tpu.enqueue_indirect_dma source(%dma_start3A_25 : memref<16384x16xf32, #tpu.memory_space<hbm>>) target(%arg6 : memref<4096x16xf32, #tpu.memory_space<vmem>>) offsets(%arg5 : memref<4096xi32, #tpu.memory_space<vmem>>) semaphore(%arg7 : memref<!tpu.dma_semaphore, #tpu.memory_space<semaphore_mem>>)
    %dma_wait3A_26 = arith.constant 0 : i32
    %dma_wait3A_27 = arith.constant 0 : i32
    %dma_wait3A_28 = tpu.memref_slice %arg2[%dma_wait3A_26, %dma_wait3A_27] : memref<16384x16xf32, #tpu.memory_space<hbm>> -> memref<16384x16xf32, #tpu.memory_space<hbm>>
    tpu.wait_indirect_dma semaphore(%arg7 : memref<!tpu.dma_semaphore, #tpu.memory_space<semaphore_mem>>) src(%dma_wait3A_28 : memref<16384x16xf32, #tpu.memory_space<hbm>>) dst(%arg6 : memref<4096x16xf32, #tpu.memory_space<vmem>>)
    "tpu.region"() ({
      %run_scoped3A = tpu.sem_alloc : memref<!tpu.dma_semaphore, #tpu.memory_space<semaphore_mem>>
      %dma_start3A_39 = arith.constant 0 : i32
      %dma_start3A_40 = tpu.memref_slice %arg4[%add3A_22, %dma_start3A_39] : memref<524288x16xf32, #tpu.memory_space<hbm>> -> memref<4096x16xf32, #tpu.memory_space<hbm>>
      %dma_start3A_41 = arith.constant 0 : i32
      %dma_start3A_42 = tpu.memref_slice %arg4[%add3A_22, %dma_start3A_41] : memref<524288x16xf32, #tpu.memory_space<hbm>> -> memref<4096x16xf32, #tpu.memory_space<hbm>>
      tpu.enqueue_dma source(%arg6 : memref<4096x16xf32, #tpu.memory_space<vmem>>) target(%dma_start3A_42 : memref<4096x16xf32, #tpu.memory_space<hbm>>) target_semaphore(%run_scoped3A : memref<!tpu.dma_semaphore, #tpu.memory_space<semaphore_mem>>)
      %dma_wait3A_43 = arith.constant 0 : i32
      %dma_wait3A_44 = tpu.memref_slice %arg4[%add3A_22, %dma_wait3A_43] : memref<524288x16xf32, #tpu.memory_space<hbm>> -> memref<4096x16xf32, #tpu.memory_space<hbm>>
      %dma_wait3A_45 = arith.constant 0 : i32
      %dma_wait3A_46 = tpu.memref_slice %arg4[%add3A_22, %dma_wait3A_45] : memref<524288x16xf32, #tpu.memory_space<hbm>> -> memref<4096x16xf32, #tpu.memory_space<hbm>>
      tpu.wait_dma2 semaphore(%run_scoped3A : memref<!tpu.dma_semaphore, #tpu.memory_space<semaphore_mem>>) src(%arg6 : memref<4096x16xf32, #tpu.memory_space<vmem>>) dst(%dma_wait3A_46 : memref<4096x16xf32, #tpu.memory_space<hbm>>)
      tpu.yield
    }) : () -> ()
    %mul3A_29 = arith.constant 16384 : i32
    %mul3A_30 = arith.muli %add3A, %mul3A_29 : i32
    %add3A_31 = arith.constant 12288 : i32
    %add3A_32 = arith.addi %mul3A_30, %add3A_31 : i32
    "tpu.region"() ({
      %run_scoped3A = tpu.sem_alloc : memref<!tpu.dma_semaphore, #tpu.memory_space<semaphore_mem>>
      %dma_start3A_39 = tpu.memref_slice %arg3[%add3A_32] : memref<524288xi32, #tpu.memory_space<hbm>> -> memref<4096xi32, #tpu.memory_space<hbm>>
      %dma_start3A_40 = tpu.memref_slice %arg3[%add3A_32] : memref<524288xi32, #tpu.memory_space<hbm>> -> memref<4096xi32, #tpu.memory_space<hbm>>
      tpu.enqueue_dma source(%dma_start3A_40 : memref<4096xi32, #tpu.memory_space<hbm>>) target(%arg5 : memref<4096xi32, #tpu.memory_space<vmem>>) target_semaphore(%run_scoped3A : memref<!tpu.dma_semaphore, #tpu.memory_space<semaphore_mem>>)
      %dma_wait3A_41 = tpu.memref_slice %arg3[%add3A_32] : memref<524288xi32, #tpu.memory_space<hbm>> -> memref<4096xi32, #tpu.memory_space<hbm>>
      %dma_wait3A_42 = tpu.memref_slice %arg3[%add3A_32] : memref<524288xi32, #tpu.memory_space<hbm>> -> memref<4096xi32, #tpu.memory_space<hbm>>
      tpu.wait_dma2 semaphore(%run_scoped3A : memref<!tpu.dma_semaphore, #tpu.memory_space<semaphore_mem>>) src(%dma_wait3A_42 : memref<4096xi32, #tpu.memory_space<hbm>>) dst(%arg5 : memref<4096xi32, #tpu.memory_space<vmem>>)
      tpu.yield
    }) : () -> ()
    %dma_start3A_33 = arith.constant 0 : i32
    %dma_start3A_34 = arith.constant 0 : i32
    %dma_start3A_35 = tpu.memref_slice %arg2[%dma_start3A_33, %dma_start3A_34] : memref<16384x16xf32, #tpu.memory_space<hbm>> -> memref<16384x16xf32, #tpu.memory_space<hbm>>
    tpu.enqueue_indirect_dma source(%dma_start3A_35 : memref<16384x16xf32, #tpu.memory_space<hbm>>) target(%arg6 : memref<4096x16xf32, #tpu.memory_space<vmem>>) offsets(%arg5 : memref<4096xi32, #tpu.memory_space<vmem>>) semaphore(%arg7 : memref<!tpu.dma_semaphore, #tpu.memory_space<semaphore_mem>>)
    %dma_wait3A_36 = arith.constant 0 : i32
    %dma_wait3A_37 = arith.constant 0 : i32
    %dma_wait3A_38 = tpu.memref_slice %arg2[%dma_wait3A_36, %dma_wait3A_37] : memref<16384x16xf32, #tpu.memory_space<hbm>> -> memref<16384x16xf32, #tpu.memory_space<hbm>>
    tpu.wait_indirect_dma semaphore(%arg7 : memref<!tpu.dma_semaphore, #tpu.memory_space<semaphore_mem>>) src(%dma_wait3A_38 : memref<16384x16xf32, #tpu.memory_space<hbm>>) dst(%arg6 : memref<4096x16xf32, #tpu.memory_space<vmem>>)
    "tpu.region"() ({
      %run_scoped3A = tpu.sem_alloc : memref<!tpu.dma_semaphore, #tpu.memory_space<semaphore_mem>>
      %dma_start3A_39 = arith.constant 0 : i32
      %dma_start3A_40 = tpu.memref_slice %arg4[%add3A_32, %dma_start3A_39] : memref<524288x16xf32, #tpu.memory_space<hbm>> -> memref<4096x16xf32, #tpu.memory_space<hbm>>
      %dma_start3A_41 = arith.constant 0 : i32
      %dma_start3A_42 = tpu.memref_slice %arg4[%add3A_32, %dma_start3A_41] : memref<524288x16xf32, #tpu.memory_space<hbm>> -> memref<4096x16xf32, #tpu.memory_space<hbm>>
      tpu.enqueue_dma source(%arg6 : memref<4096x16xf32, #tpu.memory_space<vmem>>) target(%dma_start3A_42 : memref<4096x16xf32, #tpu.memory_space<hbm>>) target_semaphore(%run_scoped3A : memref<!tpu.dma_semaphore, #tpu.memory_space<semaphore_mem>>)
      %dma_wait3A_43 = arith.constant 0 : i32
      %dma_wait3A_44 = tpu.memref_slice %arg4[%add3A_32, %dma_wait3A_43] : memref<524288x16xf32, #tpu.memory_space<hbm>> -> memref<4096x16xf32, #tpu.memory_space<hbm>>
      %dma_wait3A_45 = arith.constant 0 : i32
      %dma_wait3A_46 = tpu.memref_slice %arg4[%add3A_32, %dma_wait3A_45] : memref<524288x16xf32, #tpu.memory_space<hbm>> -> memref<4096x16xf32, #tpu.memory_space<hbm>>
      tpu.wait_dma2 semaphore(%run_scoped3A : memref<!tpu.dma_semaphore, #tpu.memory_space<semaphore_mem>>) src(%arg6 : memref<4096x16xf32, #tpu.memory_space<vmem>>) dst(%dma_wait3A_46 : memref<4096x16xf32, #tpu.memory_space<hbm>>)
      tpu.yield
    }) : () -> ()
    return
  }
}

module attributes {stable_mosaic.version = 14 : i64} {
  func.func @_topk_body(%arg0: i32, %arg1: memref<1x1x8x2048xf32, #tpu.memory_space<vmem>>, %arg2: memref<1x2048x8xf32, #tpu.memory_space<vmem>>, %arg3: memref<1x32x1x1x2048xi32, #tpu.memory_space<vmem>>, %arg4: memref<2048x2048xf32, #tpu.memory_space<vmem>>) attributes {dimension_semantics = [#tpu.dimension_semantics<arbitrary>], iteration_bounds = array<i64: 8>, scalar_prefetch = 0 : i64, scratch_operands = 1 : i64, tpu.core_type = #tpu.core_type<tc>, window_params = [{transform_indices = @transform_0, window_bounds = array<i64: 1, 1, 8, 2048>}, {transform_indices = @transform_1, window_bounds = array<i64: 1, 2048, 8>}, {transform_indices = @transform_2, window_bounds = array<i64: 1, 32, 1, 1, 2048>}]} {
    %get3A = arith.constant 0 : index
    %get3A_0 = arith.constant 0 : index
    %get3A_1 = arith.constant 0 : index
    %get3A_2 = vector.load %arg2[%get3A, %get3A_0, %get3A_1] : memref<1x2048x8xf32, #tpu.memory_space<vmem>>, vector<1x2048x8xf32>
    %get3A_3 = vector.shape_cast %get3A_2 : vector<1x2048x8xf32> to vector<2048x8xf32>
    %mul3A = arith.mulf %get3A_3, %get3A_3 : vector<2048x8xf32>
    %reduce_sum3A = arith.constant dense<0.000000e+00> : vector<2048xf32>
    %reduce_sum3A_4 = vector.multi_reduction <add>, %mul3A, %reduce_sum3A [1] : vector<2048x8xf32> to vector<2048xf32>
    %broadcast_in_dim3A = vector.shape_cast %reduce_sum3A_4 : vector<2048xf32> to vector<2048x1xf32>
    %iota3A = tpu.iota {dimensions = array<i32: 0>} : vector<2048x2048xi32>
    %scan3A = arith.constant 0x7F800000 : f32
    %scan3A_5 = arith.constant 0 : i32
    %get3A_6 = arith.constant 0 : index
    %get3A_7 = arith.index_cast %scan3A_5 : i32 to index
    %get3A_8 = arith.constant 0 : index
    %get3A_9 = arith.constant 0 : index
    %get3A_10 = vector.load %arg1[%get3A_6, %get3A_7, %get3A_8, %get3A_9] : memref<1x1x8x2048xf32, #tpu.memory_space<vmem>>, vector<1x1x8x2048xf32>
    %get3A_11 = vector.shape_cast %get3A_10 : vector<1x1x8x2048xf32> to vector<8x2048xf32>
    %mul3A_12 = arith.mulf %get3A_11, %get3A_11 : vector<8x2048xf32>
    %reduce_sum3A_13 = arith.constant dense<0.000000e+00> : vector<2048xf32>
    %reduce_sum3A_14 = vector.multi_reduction <add>, %mul3A_12, %reduce_sum3A_13 [0] : vector<8x2048xf32> to vector<2048xf32>
    %broadcast_in_dim3A_15 = vector.shape_cast %reduce_sum3A_14 : vector<2048xf32> to vector<1x2048xf32>
    %dot_general3A = arith.constant dense<0.000000e+00> : vector<2048x2048xf32>
    %dot_general3A_16 = tpu.matmul %get3A_3, %get3A_11, %dot_general3A {dimension_numbers = #tpu.dot_dimension_numbers<[1], [0], [0], [1], [0, 0, 1, 1], [], []>, transpose_lhs_hint = false} : vector<2048x8xf32>, vector<8x2048xf32>, vector<2048x2048xf32> -> vector<2048x2048xf32>
    %add3A = vector.broadcast %broadcast_in_dim3A : vector<2048x1xf32> to vector<2048x2048xf32>
    %add3A_17 = vector.broadcast %broadcast_in_dim3A_15 : vector<1x2048xf32> to vector<2048x2048xf32>
    %add3A_18 = arith.addf %add3A, %add3A_17 : vector<2048x2048xf32>
    %mul3A_19 = arith.constant 2.000000e+00 : f32
    %mul3A_20 = vector.broadcast %mul3A_19 : f32 to vector<2048x2048xf32>
    %mul3A_21 = arith.mulf %mul3A_20, %dot_general3A_16 : vector<2048x2048xf32>
    %sub3A = arith.subf %add3A_18, %mul3A_21 : vector<2048x2048xf32>
    %swap3A = arith.constant 0 : index
    %swap3A_22 = arith.constant 0 : index
    %swap3A_23 = vector.load %arg4[%swap3A, %swap3A_22] : memref<2048x2048xf32, #tpu.memory_space<vmem>>, vector<2048x2048xf32>
    tpu.vector_store %arg4[%swap3A, %swap3A_22], %sub3A {strides = array<i32>} : memref<2048x2048xf32, #tpu.memory_space<vmem>>, vector<2048x2048xf32>,
    %get3A_24 = arith.constant 0 : index
    %get3A_25 = arith.constant 0 : index
    %get3A_26 = vector.load %arg4[%get3A_24, %get3A_25] : memref<2048x2048xf32, #tpu.memory_space<vmem>>, vector<2048x2048xf32>
    %argmin3A = tpu.reduce_index %get3A_26 {axis = 0 : i32, kind = #tpu.reduction_kind<arg_min>} : vector<2048x2048xf32> -> vector<2048xi32>
    %reshape3A = vector.shape_cast %argmin3A : vector<2048xi32> to vector<1x2048xi32>
    %eq3A = vector.broadcast %reshape3A : vector<1x2048xi32> to vector<2048x2048xi32>
    %eq3A_27 = arith.cmpi eq, %iota3A, %eq3A : vector<2048x2048xi32>
    %broadcast_in_dim3A_28 = vector.broadcast %scan3A : f32 to vector<2048x2048xf32>
    %select_n3A = arith.select %eq3A_27, %broadcast_in_dim3A_28, %get3A_26 : vector<2048x2048xi1>, vector<2048x2048xf32>
    %swap3A_29 = arith.constant 0 : index
    %swap3A_30 = arith.constant 0 : index
    %swap3A_31 = vector.load %arg4[%swap3A_29, %swap3A_30] : memref<2048x2048xf32, #tpu.memory_space<vmem>>, vector<2048x2048xf32>
    tpu.vector_store %arg4[%swap3A_29, %swap3A_30], %select_n3A {strides = array<i32>} : memref<2048x2048xf32, #tpu.memory_space<vmem>>, vector<2048x2048xf32>,
    %scan3A_32 = arith.constant 0 : i32
    %scan3A_33 = arith.constant 32 : i32
    %scan3A_34 = arith.addi %scan3A_32, %scan3A_33 : i32
    %scan3A_35 = arith.constant 1 : i32
    scf.for %scan3A_38 = %scan3A_32 to %scan3A_34 step %scan3A_35  : i32 {
      %get3A_39 = arith.constant 0 : index
      %get3A_40 = arith.constant 0 : index
      %get3A_41 = vector.load %arg4[%get3A_39, %get3A_40] : memref<2048x2048xf32, #tpu.memory_space<vmem>>, vector<2048x2048xf32>
      %argmin3A_42 = tpu.reduce_index %get3A_41 {axis = 0 : i32, kind = #tpu.reduction_kind<arg_min>} : vector<2048x2048xf32> -> vector<2048xi32>
      %reshape3A_43 = vector.shape_cast %argmin3A_42 : vector<2048xi32> to vector<1x2048xi32>
      %eq3A_44 = vector.broadcast %reshape3A_43 : vector<1x2048xi32> to vector<2048x2048xi32>
      %eq3A_45 = arith.cmpi eq, %iota3A, %eq3A_44 : vector<2048x2048xi32>
      %broadcast_in_dim3A_46 = vector.broadcast %scan3A : f32 to vector<2048x2048xf32>
      %select_n3A_47 = arith.select %eq3A_45, %broadcast_in_dim3A_46, %get3A_41 : vector<2048x2048xi1>, vector<2048x2048xf32>
      %swap3A_48 = arith.constant 0 : index
      %swap3A_49 = arith.constant 0 : index
      %swap3A_50 = vector.load %arg4[%swap3A_48, %swap3A_49] : memref<2048x2048xf32, #tpu.memory_space<vmem>>, vector<2048x2048xf32>
      tpu.vector_store %arg4[%swap3A_48, %swap3A_49], %select_n3A_47 {strides = array<i32>} : memref<2048x2048xf32, #tpu.memory_space<vmem>>, vector<2048x2048xf32>,
      %mul3A_51 = arith.constant 2048 : i32
      %mul3A_52 = arith.muli %arg0, %mul3A_51 : i32
      %add3A_53 = vector.broadcast %mul3A_52 : i32 to vector<1x2048xi32>
      %add3A_54 = arith.addi %reshape3A_43, %add3A_53 : vector<1x2048xi32>
      %swap3A_55 = arith.constant 0 : index
      %swap3A_56 = arith.index_cast %scan3A_38 : i32 to index
      %swap3A_57 = arith.index_cast %scan3A_5 : i32 to index
      %swap3A_58 = arith.constant 0 : index
      %swap3A_59 = arith.constant 0 : index
      %swap3A_60 = vector.load %arg3[%swap3A_55, %swap3A_56, %swap3A_57, %swap3A_58, %swap3A_59] : memref<1x32x1x1x2048xi32, #tpu.memory_space<vmem>>, vector<1x1x1x1x2048xi32>
      %swap3A_61 = vector.shape_cast %swap3A_60 : vector<1x1x1x1x2048xi32> to vector<1x2048xi32>
      %swap3A_62 = vector.shape_cast %add3A_54 : vector<1x2048xi32> to vector<1x1x1x1x2048xi32>
      tpu.vector_store %arg3[%swap3A_55, %swap3A_56, %swap3A_57, %swap3A_58, %swap3A_59], %swap3A_62 {strides = array<i32>} : memref<1x32x1x1x2048xi32, #tpu.memory_space<vmem>>, vector<1x1x1x1x2048xi32>,
    }
    %scan3A_36 = arith.constant 32 : i32
    %scan3A_37 = arith.constant 1 : i32
    return
  }
  func.func @transform_0(%arg0: i32) -> (i32, i32, i32, i32) {
    %c0_i32 = arith.constant 0 : i32
    %c0_i32_0 = arith.constant 0 : i32
    %c0_i32_1 = arith.constant 0 : i32
    %c0_i32_2 = arith.constant 0 : i32
    return %arg0, %c0_i32, %c0_i32_0, %c0_i32_1 : i32, i32, i32, i32
  }
  func.func @transform_1(%arg0: i32) -> (i32, i32, i32) {
    %c0_i32 = arith.constant 0 : i32
    %c0_i32_0 = arith.constant 0 : i32
    %c0_i32_1 = arith.constant 0 : i32
    return %arg0, %c0_i32, %c0_i32_0 : i32, i32, i32
  }
  func.func @transform_2(%arg0: i32) -> (i32, i32, i32, i32, i32) {
    %c0_i32 = arith.constant 0 : i32
    %c0_i32_0 = arith.constant 0 : i32
    %c0_i32_1 = arith.constant 0 : i32
    %c0_i32_2 = arith.constant 0 : i32
    %c0_i32_3 = arith.constant 0 : i32
    return %arg0, %c0_i32, %c0_i32_0, %c0_i32_1, %c0_i32_2 : i32, i32, i32, i32, i32
  }
}

module attributes {stable_mosaic.version = 14 : i64} {
  func.func @_conv_body(%arg0: i32, %arg1: memref<1x8x2048xf32, #tpu.memory_space<vmem>>, %arg2: memref<1x32x16x2048xf32, #tpu.memory_space<vmem>>, %arg3: memref<32x8xf32, #tpu.memory_space<vmem>>, %arg4: memref<32x16xf32, #tpu.memory_space<vmem>>, %arg5: memref<32x1xf32, #tpu.memory_space<vmem>>, %arg6: memref<32x1xf32, #tpu.memory_space<vmem>>, %arg7: memref<32x1xf32, #tpu.memory_space<vmem>>, %arg8: memref<64x32xf32, #tpu.memory_space<vmem>>, %arg9: memref<64x1xf32, #tpu.memory_space<vmem>>, %arg10: memref<64x1xf32, #tpu.memory_space<vmem>>, %arg11: memref<64x1xf32, #tpu.memory_space<vmem>>, %arg12: memref<128x64xf32, #tpu.memory_space<vmem>>, %arg13: memref<128x1xf32, #tpu.memory_space<vmem>>, %arg14: memref<128x1xf32, #tpu.memory_space<vmem>>, %arg15: memref<128x1xf32, #tpu.memory_space<vmem>>, %arg16: memref<256x128xf32, #tpu.memory_space<vmem>>, %arg17: memref<256x1xf32, #tpu.memory_space<vmem>>, %arg18: memref<256x1xf32, #tpu.memory_space<vmem>>, %arg19: memref<256x1xf32, #tpu.memory_space<vmem>>, %arg20: memref<1x256x2048xf32, #tpu.memory_space<vmem>>, %arg21: memref<64x2048xf32, #tpu.memory_space<vmem>>, %arg22: memref<32x32x2048xf32, #tpu.memory_space<vmem>>) attributes {dimension_semantics = [#tpu.dimension_semantics<arbitrary>], iteration_bounds = array<i64: 8>, scalar_prefetch = 0 : i64, scratch_operands = 2 : i64, tpu.core_type = #tpu.core_type<tc>, window_params = [{transform_indices = @transform_0, window_bounds = array<i64: 1, 8, 2048>}, {transform_indices = @transform_1, window_bounds = array<i64: 1, 32, 16, 2048>}, {pipeline_mode = #tpu.pipeline_mode<synchronous>, transform_indices = @transform_2, window_bounds = array<i64: 32, 8>}, {pipeline_mode = #tpu.pipeline_mode<synchronous>, transform_indices = @transform_3, window_bounds = array<i64: 32, 16>}, {pipeline_mode = #tpu.pipeline_mode<synchronous>, transform_indices = @transform_4, window_bounds = array<i64: 32, 1>}, {pipeline_mode = #tpu.pipeline_mode<synchronous>, transform_indices = @transform_5, window_bounds = array<i64: 32, 1>}, {pipeline_mode = #tpu.pipeline_mode<synchronous>, transform_indices = @transform_6, window_bounds = array<i64: 32, 1>}, {pipeline_mode = #tpu.pipeline_mode<synchronous>, transform_indices = @transform_7, window_bounds = array<i64: 64, 32>}, {pipeline_mode = #tpu.pipeline_mode<synchronous>, transform_indices = @transform_8, window_bounds = array<i64: 64, 1>}, {pipeline_mode = #tpu.pipeline_mode<synchronous>, transform_indices = @transform_9, window_bounds = array<i64: 64, 1>}, {pipeline_mode = #tpu.pipeline_mode<synchronous>, transform_indices = @transform_10, window_bounds = array<i64: 64, 1>}, {pipeline_mode = #tpu.pipeline_mode<synchronous>, transform_indices = @transform_11, window_bounds = array<i64: 128, 64>}, {pipeline_mode = #tpu.pipeline_mode<synchronous>, transform_indices = @transform_12, window_bounds = array<i64: 128, 1>}, {pipeline_mode = #tpu.pipeline_mode<synchronous>, transform_indices = @transform_13, window_bounds = array<i64: 128, 1>}, {pipeline_mode = #tpu.pipeline_mode<synchronous>, transform_indices = @transform_14, window_bounds = array<i64: 128, 1>}, {pipeline_mode = #tpu.pipeline_mode<synchronous>, transform_indices = @transform_15, window_bounds = array<i64: 256, 128>}, {pipeline_mode = #tpu.pipeline_mode<synchronous>, transform_indices = @transform_16, window_bounds = array<i64: 256, 1>}, {pipeline_mode = #tpu.pipeline_mode<synchronous>, transform_indices = @transform_17, window_bounds = array<i64: 256, 1>}, {pipeline_mode = #tpu.pipeline_mode<synchronous>, transform_indices = @transform_18, window_bounds = array<i64: 256, 1>}, {transform_indices = @transform_19, window_bounds = array<i64: 1, 256, 2048>}]} {
    %get3A = arith.constant 0 : index
    %get3A_0 = arith.constant 0 : index
    %get3A_1 = vector.load %arg3[%get3A, %get3A_0] : memref<32x8xf32, #tpu.memory_space<vmem>>, vector<32x8xf32>
    %get3A_2 = arith.constant 0 : index
    %get3A_3 = arith.constant 0 : index
    %get3A_4 = arith.constant 0 : index
    %get3A_5 = vector.load %arg1[%get3A_2, %get3A_3, %get3A_4] : memref<1x8x2048xf32, #tpu.memory_space<vmem>>, vector<1x8x2048xf32>
    %get3A_6 = vector.shape_cast %get3A_5 : vector<1x8x2048xf32> to vector<8x2048xf32>
    %dot_general3A = arith.constant dense<0.000000e+00> : vector<32x2048xf32>
    %dot_general3A_7 = tpu.matmul %get3A_1, %get3A_6, %dot_general3A {dimension_numbers = #tpu.dot_dimension_numbers<[1], [0], [0], [1], [0, 0, 1, 1], [], []>, transpose_lhs_hint = false} : vector<32x8xf32>, vector<8x2048xf32>, vector<32x2048xf32> -> vector<32x2048xf32>
    %get3A_8 = arith.constant 0 : index
    %get3A_9 = arith.constant 0 : index
    %get3A_10 = vector.load %arg5[%get3A_8, %get3A_9] : memref<32x1xf32, #tpu.memory_space<vmem>>, vector<32x1xf32>
    %add3A = vector.broadcast %get3A_10 : vector<32x1xf32> to vector<32x2048xf32>
    %add3A_11 = arith.addf %dot_general3A_7, %add3A : vector<32x2048xf32>
    %get3A_12 = arith.constant 0 : index
    %get3A_13 = arith.constant 0 : index
    %get3A_14 = vector.load %arg4[%get3A_12, %get3A_13] : memref<32x16xf32, #tpu.memory_space<vmem>>, vector<32x16xf32>
    %broadcast_in_dim3A = arith.constant 0.000000e+00 : f32
    %broadcast_in_dim3A_15 = vector.broadcast %broadcast_in_dim3A : f32 to vector<32x1xf32>
    %broadcast_in_dim3A_16 = arith.constant 0.000000e+00 : f32
    %broadcast_in_dim3A_17 = vector.broadcast %broadcast_in_dim3A_16 : f32 to vector<32x1xf32>
    %scan3A = arith.constant 0 : i32
    %scan3A_18 = arith.constant 32 : i32
    %scan3A_19 = arith.addi %scan3A, %scan3A_18 : i32
    %scan3A_20 = arith.constant 1 : i32
    %scan3A_21:2 = scf.for %scan3A_464 = %scan3A to %scan3A_19 step %scan3A_20 iter_args(%scan3A_465 = %broadcast_in_dim3A_15, %scan3A_466 = %broadcast_in_dim3A_17) -> (vector<32x1xf32>, vector<32x1xf32>)  : i32 {
      %get3A_467 = arith.constant 0 : index
      %get3A_468 = arith.index_cast %scan3A_464 : i32 to index
      %get3A_469 = arith.constant 0 : index
      %get3A_470 = arith.constant 0 : index
      %get3A_471 = vector.load %arg2[%get3A_467, %get3A_468, %get3A_469, %get3A_470] : memref<1x32x16x2048xf32, #tpu.memory_space<vmem>>, vector<1x1x16x2048xf32>
      %get3A_472 = vector.shape_cast %get3A_471 : vector<1x1x16x2048xf32> to vector<16x2048xf32>
      %dot_general3A_473 = arith.constant dense<0.000000e+00> : vector<32x2048xf32>
      %dot_general3A_474 = tpu.matmul %get3A_14, %get3A_472, %dot_general3A_473 {dimension_numbers = #tpu.dot_dimension_numbers<[1], [0], [0], [1], [0, 0, 1, 1], [], []>, transpose_lhs_hint = false} : vector<32x16xf32>, vector<16x2048xf32>, vector<32x2048xf32> -> vector<32x2048xf32>
      %add3A_475 = arith.addf %add3A_11, %dot_general3A_474 : vector<32x2048xf32>
      %swap3A_476 = arith.index_cast %scan3A_464 : i32 to index
      %swap3A_477 = arith.constant 0 : index
      %swap3A_478 = arith.constant 0 : index
      %swap3A_479 = vector.load %arg22[%swap3A_476, %swap3A_477, %swap3A_478] : memref<32x32x2048xf32, #tpu.memory_space<vmem>>, vector<1x32x2048xf32>
      %swap3A_480 = vector.shape_cast %swap3A_479 : vector<1x32x2048xf32> to vector<32x2048xf32>
      %swap3A_481 = vector.shape_cast %add3A_475 : vector<32x2048xf32> to vector<1x32x2048xf32>
      tpu.vector_store %arg22[%swap3A_476, %swap3A_477, %swap3A_478], %swap3A_481 {strides = array<i32>} : memref<32x32x2048xf32, #tpu.memory_space<vmem>>, vector<1x32x2048xf32>,
      %reduce_sum3A_482 = arith.constant dense<0.000000e+00> : vector<32xf32>
      %reduce_sum3A_483 = vector.multi_reduction <add>, %add3A_475, %reduce_sum3A_482 [1] : vector<32x2048xf32> to vector<32xf32>
      %broadcast_in_dim3A_484 = vector.shape_cast %reduce_sum3A_483 : vector<32xf32> to vector<32x1xf32>
      %add3A_485 = arith.addf %scan3A_465, %broadcast_in_dim3A_484 : vector<32x1xf32>
      %mul3A_486 = arith.mulf %add3A_475, %add3A_475 : vector<32x2048xf32>
      %reduce_sum3A_487 = arith.constant dense<0.000000e+00> : vector<32xf32>
      %reduce_sum3A_488 = vector.multi_reduction <add>, %mul3A_486, %reduce_sum3A_487 [1] : vector<32x2048xf32> to vector<32xf32>
      %broadcast_in_dim3A_489 = vector.shape_cast %reduce_sum3A_488 : vector<32xf32> to vector<32x1xf32>
      %add3A_490 = arith.addf %scan3A_466, %broadcast_in_dim3A_489 : vector<32x1xf32>
      scf.yield %add3A_485, %add3A_490 : vector<32x1xf32>, vector<32x1xf32>
    }
    %scan3A_22 = arith.constant 32 : i32
    %get3A_23 = arith.constant 0 : index
    %get3A_24 = arith.constant 0 : index
    %get3A_25 = vector.load %arg6[%get3A_23, %get3A_24] : memref<32x1xf32, #tpu.memory_space<vmem>>, vector<32x1xf32>
    %get3A_26 = arith.constant 0 : index
    %get3A_27 = arith.constant 0 : index
    %get3A_28 = vector.load %arg7[%get3A_26, %get3A_27] : memref<32x1xf32, #tpu.memory_space<vmem>>, vector<32x1xf32>
    %iota3A = tpu.iota {dimensions = array<i32: 0>} : vector<32x32xi32>
    %jit3A = arith.constant 4 : i32
    %div3A = vector.broadcast %jit3A : i32 to vector<32x32xi32>
    %div3A_29 = arith.divsi %iota3A, %div3A : vector<32x32xi32>
    %sign3A = arith.constant 0 : i32
    %sign3A_30 = vector.broadcast %sign3A : i32 to vector<32x32xi32>
    %sign3A_31 = arith.cmpi sgt, %iota3A, %sign3A_30 : vector<32x32xi32>
    %sign3A_32 = arith.extui %sign3A_31 : vector<32x32xi1> to vector<32x32xi32>
    %sign3A_33 = arith.constant 0 : i32
    %sign3A_34 = vector.broadcast %sign3A_33 : i32 to vector<32x32xi32>
    %sign3A_35 = arith.cmpi slt, %iota3A, %sign3A_34 : vector<32x32xi32>
    %sign3A_36 = arith.extui %sign3A_35 : vector<32x32xi1> to vector<32x32xi32>
    %sign3A_37 = arith.subi %sign3A_32, %sign3A_36 : vector<32x32xi32>
    %sign3A_38 = arith.constant 0 : i32
    %sign3A_39 = arith.cmpi sgt, %jit3A, %sign3A_38 : i32
    %sign3A_40 = arith.extui %sign3A_39 : i1 to i32
    %sign3A_41 = arith.constant 0 : i32
    %sign3A_42 = arith.cmpi slt, %jit3A, %sign3A_41 : i32
    %sign3A_43 = arith.extui %sign3A_42 : i1 to i32
    %sign3A_44 = arith.subi %sign3A_40, %sign3A_43 : i32
    %ne3A = vector.broadcast %sign3A_44 : i32 to vector<32x32xi32>
    %ne3A_45 = arith.cmpi ne, %sign3A_37, %ne3A : vector<32x32xi32>
    %rem3A = vector.broadcast %jit3A : i32 to vector<32x32xi32>
    %rem3A_46 = arith.remsi %iota3A, %rem3A : vector<32x32xi32>
    %ne3A_47 = arith.constant 0 : i32
    %ne3A_48 = vector.broadcast %ne3A_47 : i32 to vector<32x32xi32>
    %ne3A_49 = arith.cmpi ne, %rem3A_46, %ne3A_48 : vector<32x32xi32>
    %and3A = arith.andi %ne3A_45, %ne3A_49 : vector<32x32xi1>
    %sub3A = arith.constant 1 : i32
    %sub3A_50 = vector.broadcast %sub3A : i32 to vector<32x32xi32>
    %sub3A_51 = arith.subi %div3A_29, %sub3A_50 : vector<32x32xi32>
    %select_n3A = arith.select %and3A, %sub3A_51, %div3A_29 : vector<32x32xi1>, vector<32x32xi32>
    %iota3A_52 = tpu.iota {dimensions = array<i32: 1>} : vector<32x32xi32>
    %jit3A_53 = arith.constant 4 : i32
    %div3A_54 = vector.broadcast %jit3A_53 : i32 to vector<32x32xi32>
    %div3A_55 = arith.divsi %iota3A_52, %div3A_54 : vector<32x32xi32>
    %sign3A_56 = arith.constant 0 : i32
    %sign3A_57 = vector.broadcast %sign3A_56 : i32 to vector<32x32xi32>
    %sign3A_58 = arith.cmpi sgt, %iota3A_52, %sign3A_57 : vector<32x32xi32>
    %sign3A_59 = arith.extui %sign3A_58 : vector<32x32xi1> to vector<32x32xi32>
    %sign3A_60 = arith.constant 0 : i32
    %sign3A_61 = vector.broadcast %sign3A_60 : i32 to vector<32x32xi32>
    %sign3A_62 = arith.cmpi slt, %iota3A_52, %sign3A_61 : vector<32x32xi32>
    %sign3A_63 = arith.extui %sign3A_62 : vector<32x32xi1> to vector<32x32xi32>
    %sign3A_64 = arith.subi %sign3A_59, %sign3A_63 : vector<32x32xi32>
    %sign3A_65 = arith.constant 0 : i32
    %sign3A_66 = arith.cmpi sgt, %jit3A_53, %sign3A_65 : i32
    %sign3A_67 = arith.extui %sign3A_66 : i1 to i32
    %sign3A_68 = arith.constant 0 : i32
    %sign3A_69 = arith.cmpi slt, %jit3A_53, %sign3A_68 : i32
    %sign3A_70 = arith.extui %sign3A_69 : i1 to i32
    %sign3A_71 = arith.subi %sign3A_67, %sign3A_70 : i32
    %ne3A_72 = vector.broadcast %sign3A_71 : i32 to vector<32x32xi32>
    %ne3A_73 = arith.cmpi ne, %sign3A_64, %ne3A_72 : vector<32x32xi32>
    %rem3A_74 = vector.broadcast %jit3A_53 : i32 to vector<32x32xi32>
    %rem3A_75 = arith.remsi %iota3A_52, %rem3A_74 : vector<32x32xi32>
    %ne3A_76 = arith.constant 0 : i32
    %ne3A_77 = vector.broadcast %ne3A_76 : i32 to vector<32x32xi32>
    %ne3A_78 = arith.cmpi ne, %rem3A_75, %ne3A_77 : vector<32x32xi32>
    %and3A_79 = arith.andi %ne3A_73, %ne3A_78 : vector<32x32xi1>
    %sub3A_80 = arith.constant 1 : i32
    %sub3A_81 = vector.broadcast %sub3A_80 : i32 to vector<32x32xi32>
    %sub3A_82 = arith.subi %div3A_55, %sub3A_81 : vector<32x32xi32>
    %select_n3A_83 = arith.select %and3A_79, %sub3A_82, %div3A_55 : vector<32x32xi1>, vector<32x32xi32>
    %eq3A = arith.cmpi eq, %select_n3A, %select_n3A_83 : vector<32x32xi32>
    %jit3A_84 = arith.constant 3.81469727E-6 : f32
    %jit3A_85 = arith.constant 0.000000e+00 : f32
    %broadcast_in_dim3A_86 = vector.broadcast %jit3A_84 : f32 to vector<32x32xf32>
    %broadcast_in_dim3A_87 = vector.broadcast %jit3A_85 : f32 to vector<32x32xf32>
    %select_n3A_88 = arith.select %eq3A, %broadcast_in_dim3A_86, %broadcast_in_dim3A_87 : vector<32x32xi1>, vector<32x32xf32>
    %dot_general3A_89 = arith.constant dense<0.000000e+00> : vector<32x1xf32>
    %dot_general3A_90 = tpu.matmul %select_n3A_88, %scan3A_21#0, %dot_general3A_89 {dimension_numbers = #tpu.dot_dimension_numbers<[1], [0], [0], [1], [0, 0, 1, 1], [], []>, transpose_lhs_hint = false} : vector<32x32xf32>, vector<32x1xf32>, vector<32x1xf32> -> vector<32x1xf32>
    %dot_general3A_91 = arith.constant dense<0.000000e+00> : vector<32x1xf32>
    %dot_general3A_92 = tpu.matmul %select_n3A_88, %scan3A_21#1, %dot_general3A_91 {dimension_numbers = #tpu.dot_dimension_numbers<[1], [0], [0], [1], [0, 0, 1, 1], [], []>, transpose_lhs_hint = false} : vector<32x32xf32>, vector<32x1xf32>, vector<32x1xf32> -> vector<32x1xf32>
    %mul3A = arith.mulf %dot_general3A_90, %dot_general3A_90 : vector<32x1xf32>
    %sub3A_93 = arith.subf %dot_general3A_92, %mul3A : vector<32x1xf32>
    %add3A_94 = arith.constant 9.99999974E-6 : f32
    %add3A_95 = vector.broadcast %add3A_94 : f32 to vector<32x1xf32>
    %add3A_96 = arith.addf %sub3A_93, %add3A_95 : vector<32x1xf32>
    %rsqrt3A = math.rsqrt %add3A_96 : vector<32x1xf32>
    %mul3A_97 = arith.mulf %get3A_25, %rsqrt3A : vector<32x1xf32>
    %mul3A_98 = arith.mulf %dot_general3A_90, %mul3A_97 : vector<32x1xf32>
    %sub3A_99 = arith.subf %get3A_28, %mul3A_98 : vector<32x1xf32>
    %neg3A = arith.constant 0.000000e+00 : f32
    %neg3A_100 = arith.constant 0x7F800000 : f32
    %neg3A_101 = arith.subf %neg3A, %neg3A_100 : f32
    %broadcast_in_dim3A_102 = vector.broadcast %neg3A_101 : f32 to vector<64x2048xf32>
    %swap3A = arith.constant 0 : index
    %swap3A_103 = arith.constant 0 : index
    %swap3A_104 = vector.load %arg21[%swap3A, %swap3A_103] : memref<64x2048xf32, #tpu.memory_space<vmem>>, vector<64x2048xf32>
    tpu.vector_store %arg21[%swap3A, %swap3A_103], %broadcast_in_dim3A_102 {strides = array<i32>} : memref<64x2048xf32, #tpu.memory_space<vmem>>, vector<64x2048xf32>,
    %get3A_105 = arith.constant 0 : index
    %get3A_106 = arith.constant 0 : index
    %get3A_107 = vector.load %arg8[%get3A_105, %get3A_106] : memref<64x32xf32, #tpu.memory_space<vmem>>, vector<64x32xf32>
    %get3A_108 = arith.constant 0 : index
    %get3A_109 = arith.constant 0 : index
    %get3A_110 = vector.load %arg9[%get3A_108, %get3A_109] : memref<64x1xf32, #tpu.memory_space<vmem>>, vector<64x1xf32>
    %broadcast_in_dim3A_111 = arith.constant 0.000000e+00 : f32
    %broadcast_in_dim3A_112 = vector.broadcast %broadcast_in_dim3A_111 : f32 to vector<64x1xf32>
    %broadcast_in_dim3A_113 = arith.constant 0.000000e+00 : f32
    %broadcast_in_dim3A_114 = vector.broadcast %broadcast_in_dim3A_113 : f32 to vector<64x1xf32>
    %scan3A_115 = arith.constant 0 : i32
    %scan3A_116 = arith.constant 32 : i32
    %scan3A_117 = arith.addi %scan3A_115, %scan3A_116 : i32
    %scan3A_118 = arith.constant 1 : i32
    %scan3A_119:2 = scf.for %scan3A_464 = %scan3A_115 to %scan3A_117 step %scan3A_118 iter_args(%scan3A_465 = %broadcast_in_dim3A_112, %scan3A_466 = %broadcast_in_dim3A_114) -> (vector<64x1xf32>, vector<64x1xf32>)  : i32 {
      %get3A_467 = arith.index_cast %scan3A_464 : i32 to index
      %get3A_468 = arith.constant 0 : index
      %get3A_469 = arith.constant 0 : index
      %get3A_470 = vector.load %arg22[%get3A_467, %get3A_468, %get3A_469] : memref<32x32x2048xf32, #tpu.memory_space<vmem>>, vector<1x32x2048xf32>
      %get3A_471 = vector.shape_cast %get3A_470 : vector<1x32x2048xf32> to vector<32x2048xf32>
      %mul3A_472 = vector.broadcast %mul3A_97 : vector<32x1xf32> to vector<32x2048xf32>
      %mul3A_473 = arith.mulf %get3A_471, %mul3A_472 : vector<32x2048xf32>
      %add3A_474 = vector.broadcast %sub3A_99 : vector<32x1xf32> to vector<32x2048xf32>
      %add3A_475 = arith.addf %mul3A_473, %add3A_474 : vector<32x2048xf32>
      %gt3A_476 = arith.constant 0.000000e+00 : f32
      %gt3A_477 = vector.broadcast %gt3A_476 : f32 to vector<32x2048xf32>
      %gt3A_478 = arith.cmpf ogt, %add3A_475, %gt3A_477 : vector<32x2048xf32>
      %exp3A_479 = math.exp %add3A_475 : vector<32x2048xf32>
      %sub3A_480 = arith.constant 1.000000e+00 : f32
      %sub3A_481 = vector.broadcast %sub3A_480 : f32 to vector<32x2048xf32>
      %sub3A_482 = arith.subf %exp3A_479, %sub3A_481 : vector<32x2048xf32>
      %select_n3A_483 = arith.select %gt3A_478, %add3A_475, %sub3A_482 : vector<32x2048xi1>, vector<32x2048xf32>
      %dot_general3A_484 = arith.constant dense<0.000000e+00> : vector<64x2048xf32>
      %dot_general3A_485 = tpu.matmul %get3A_107, %select_n3A_483, %dot_general3A_484 {dimension_numbers = #tpu.dot_dimension_numbers<[1], [0], [0], [1], [0, 0, 1, 1], [], []>, transpose_lhs_hint = false} : vector<64x32xf32>, vector<32x2048xf32>, vector<64x2048xf32> -> vector<64x2048xf32>
      %add3A_486 = vector.broadcast %get3A_110 : vector<64x1xf32> to vector<64x2048xf32>
      %add3A_487 = arith.addf %dot_general3A_485, %add3A_486 : vector<64x2048xf32>
      %get3A_488 = arith.constant 0 : index
      %get3A_489 = arith.constant 0 : index
      %get3A_490 = vector.load %arg21[%get3A_488, %get3A_489] : memref<64x2048xf32, #tpu.memory_space<vmem>>, vector<64x2048xf32>
      %max3A = arith.maximumf %get3A_490, %add3A_487 : vector<64x2048xf32>
      %swap3A_491 = arith.constant 0 : index
      %swap3A_492 = arith.constant 0 : index
      %swap3A_493 = vector.load %arg21[%swap3A_491, %swap3A_492] : memref<64x2048xf32, #tpu.memory_space<vmem>>, vector<64x2048xf32>
      tpu.vector_store %arg21[%swap3A_491, %swap3A_492], %max3A {strides = array<i32>} : memref<64x2048xf32, #tpu.memory_space<vmem>>, vector<64x2048xf32>,
      %reduce_sum3A_494 = arith.constant dense<0.000000e+00> : vector<64xf32>
      %reduce_sum3A_495 = vector.multi_reduction <add>, %add3A_487, %reduce_sum3A_494 [1] : vector<64x2048xf32> to vector<64xf32>
      %broadcast_in_dim3A_496 = vector.shape_cast %reduce_sum3A_495 : vector<64xf32> to vector<64x1xf32>
      %add3A_497 = arith.addf %scan3A_465, %broadcast_in_dim3A_496 : vector<64x1xf32>
      %mul3A_498 = arith.mulf %add3A_487, %add3A_487 : vector<64x2048xf32>
      %reduce_sum3A_499 = arith.constant dense<0.000000e+00> : vector<64xf32>
      %reduce_sum3A_500 = vector.multi_reduction <add>, %mul3A_498, %reduce_sum3A_499 [1] : vector<64x2048xf32> to vector<64xf32>
      %broadcast_in_dim3A_501 = vector.shape_cast %reduce_sum3A_500 : vector<64xf32> to vector<64x1xf32>
      %add3A_502 = arith.addf %scan3A_466, %broadcast_in_dim3A_501 : vector<64x1xf32>
      scf.yield %add3A_497, %add3A_502 : vector<64x1xf32>, vector<64x1xf32>
    }
    %scan3A_120 = arith.constant 32 : i32
    %get3A_121 = arith.constant 0 : index
    %get3A_122 = arith.constant 0 : index
    %get3A_123 = vector.load %arg10[%get3A_121, %get3A_122] : memref<64x1xf32, #tpu.memory_space<vmem>>, vector<64x1xf32>
    %get3A_124 = arith.constant 0 : index
    %get3A_125 = arith.constant 0 : index
    %get3A_126 = vector.load %arg11[%get3A_124, %get3A_125] : memref<64x1xf32, #tpu.memory_space<vmem>>, vector<64x1xf32>
    %iota3A_127 = tpu.iota {dimensions = array<i32: 0>} : vector<64x64xi32>
    %jit3A_128 = arith.constant 8 : i32
    %div3A_129 = vector.broadcast %jit3A_128 : i32 to vector<64x64xi32>
    %div3A_130 = arith.divsi %iota3A_127, %div3A_129 : vector<64x64xi32>
    %sign3A_131 = arith.constant 0 : i32
    %sign3A_132 = vector.broadcast %sign3A_131 : i32 to vector<64x64xi32>
    %sign3A_133 = arith.cmpi sgt, %iota3A_127, %sign3A_132 : vector<64x64xi32>
    %sign3A_134 = arith.extui %sign3A_133 : vector<64x64xi1> to vector<64x64xi32>
    %sign3A_135 = arith.constant 0 : i32
    %sign3A_136 = vector.broadcast %sign3A_135 : i32 to vector<64x64xi32>
    %sign3A_137 = arith.cmpi slt, %iota3A_127, %sign3A_136 : vector<64x64xi32>
    %sign3A_138 = arith.extui %sign3A_137 : vector<64x64xi1> to vector<64x64xi32>
    %sign3A_139 = arith.subi %sign3A_134, %sign3A_138 : vector<64x64xi32>
    %sign3A_140 = arith.constant 0 : i32
    %sign3A_141 = arith.cmpi sgt, %jit3A_128, %sign3A_140 : i32
    %sign3A_142 = arith.extui %sign3A_141 : i1 to i32
    %sign3A_143 = arith.constant 0 : i32
    %sign3A_144 = arith.cmpi slt, %jit3A_128, %sign3A_143 : i32
    %sign3A_145 = arith.extui %sign3A_144 : i1 to i32
    %sign3A_146 = arith.subi %sign3A_142, %sign3A_145 : i32
    %ne3A_147 = vector.broadcast %sign3A_146 : i32 to vector<64x64xi32>
    %ne3A_148 = arith.cmpi ne, %sign3A_139, %ne3A_147 : vector<64x64xi32>
    %rem3A_149 = vector.broadcast %jit3A_128 : i32 to vector<64x64xi32>
    %rem3A_150 = arith.remsi %iota3A_127, %rem3A_149 : vector<64x64xi32>
    %ne3A_151 = arith.constant 0 : i32
    %ne3A_152 = vector.broadcast %ne3A_151 : i32 to vector<64x64xi32>
    %ne3A_153 = arith.cmpi ne, %rem3A_150, %ne3A_152 : vector<64x64xi32>
    %and3A_154 = arith.andi %ne3A_148, %ne3A_153 : vector<64x64xi1>
    %sub3A_155 = arith.constant 1 : i32
    %sub3A_156 = vector.broadcast %sub3A_155 : i32 to vector<64x64xi32>
    %sub3A_157 = arith.subi %div3A_130, %sub3A_156 : vector<64x64xi32>
    %select_n3A_158 = arith.select %and3A_154, %sub3A_157, %div3A_130 : vector<64x64xi1>, vector<64x64xi32>
    %iota3A_159 = tpu.iota {dimensions = array<i32: 1>} : vector<64x64xi32>
    %jit3A_160 = arith.constant 8 : i32
    %div3A_161 = vector.broadcast %jit3A_160 : i32 to vector<64x64xi32>
    %div3A_162 = arith.divsi %iota3A_159, %div3A_161 : vector<64x64xi32>
    %sign3A_163 = arith.constant 0 : i32
    %sign3A_164 = vector.broadcast %sign3A_163 : i32 to vector<64x64xi32>
    %sign3A_165 = arith.cmpi sgt, %iota3A_159, %sign3A_164 : vector<64x64xi32>
    %sign3A_166 = arith.extui %sign3A_165 : vector<64x64xi1> to vector<64x64xi32>
    %sign3A_167 = arith.constant 0 : i32
    %sign3A_168 = vector.broadcast %sign3A_167 : i32 to vector<64x64xi32>
    %sign3A_169 = arith.cmpi slt, %iota3A_159, %sign3A_168 : vector<64x64xi32>
    %sign3A_170 = arith.extui %sign3A_169 : vector<64x64xi1> to vector<64x64xi32>
    %sign3A_171 = arith.subi %sign3A_166, %sign3A_170 : vector<64x64xi32>
    %sign3A_172 = arith.constant 0 : i32
    %sign3A_173 = arith.cmpi sgt, %jit3A_160, %sign3A_172 : i32
    %sign3A_174 = arith.extui %sign3A_173 : i1 to i32
    %sign3A_175 = arith.constant 0 : i32
    %sign3A_176 = arith.cmpi slt, %jit3A_160, %sign3A_175 : i32
    %sign3A_177 = arith.extui %sign3A_176 : i1 to i32
    %sign3A_178 = arith.subi %sign3A_174, %sign3A_177 : i32
    %ne3A_179 = vector.broadcast %sign3A_178 : i32 to vector<64x64xi32>
    %ne3A_180 = arith.cmpi ne, %sign3A_171, %ne3A_179 : vector<64x64xi32>
    %rem3A_181 = vector.broadcast %jit3A_160 : i32 to vector<64x64xi32>
    %rem3A_182 = arith.remsi %iota3A_159, %rem3A_181 : vector<64x64xi32>
    %ne3A_183 = arith.constant 0 : i32
    %ne3A_184 = vector.broadcast %ne3A_183 : i32 to vector<64x64xi32>
    %ne3A_185 = arith.cmpi ne, %rem3A_182, %ne3A_184 : vector<64x64xi32>
    %and3A_186 = arith.andi %ne3A_180, %ne3A_185 : vector<64x64xi1>
    %sub3A_187 = arith.constant 1 : i32
    %sub3A_188 = vector.broadcast %sub3A_187 : i32 to vector<64x64xi32>
    %sub3A_189 = arith.subi %div3A_162, %sub3A_188 : vector<64x64xi32>
    %select_n3A_190 = arith.select %and3A_186, %sub3A_189, %div3A_162 : vector<64x64xi1>, vector<64x64xi32>
    %eq3A_191 = arith.cmpi eq, %select_n3A_158, %select_n3A_190 : vector<64x64xi32>
    %jit3A_192 = arith.constant 1.90734863E-6 : f32
    %jit3A_193 = arith.constant 0.000000e+00 : f32
    %broadcast_in_dim3A_194 = vector.broadcast %jit3A_192 : f32 to vector<64x64xf32>
    %broadcast_in_dim3A_195 = vector.broadcast %jit3A_193 : f32 to vector<64x64xf32>
    %select_n3A_196 = arith.select %eq3A_191, %broadcast_in_dim3A_194, %broadcast_in_dim3A_195 : vector<64x64xi1>, vector<64x64xf32>
    %dot_general3A_197 = arith.constant dense<0.000000e+00> : vector<64x1xf32>
    %dot_general3A_198 = tpu.matmul %select_n3A_196, %scan3A_119#0, %dot_general3A_197 {dimension_numbers = #tpu.dot_dimension_numbers<[1], [0], [0], [1], [0, 0, 1, 1], [], []>, transpose_lhs_hint = false} : vector<64x64xf32>, vector<64x1xf32>, vector<64x1xf32> -> vector<64x1xf32>
    %dot_general3A_199 = arith.constant dense<0.000000e+00> : vector<64x1xf32>
    %dot_general3A_200 = tpu.matmul %select_n3A_196, %scan3A_119#1, %dot_general3A_199 {dimension_numbers = #tpu.dot_dimension_numbers<[1], [0], [0], [1], [0, 0, 1, 1], [], []>, transpose_lhs_hint = false} : vector<64x64xf32>, vector<64x1xf32>, vector<64x1xf32> -> vector<64x1xf32>
    %mul3A_201 = arith.mulf %dot_general3A_198, %dot_general3A_198 : vector<64x1xf32>
    %sub3A_202 = arith.subf %dot_general3A_200, %mul3A_201 : vector<64x1xf32>
    %add3A_203 = arith.constant 9.99999974E-6 : f32
    %add3A_204 = vector.broadcast %add3A_203 : f32 to vector<64x1xf32>
    %add3A_205 = arith.addf %sub3A_202, %add3A_204 : vector<64x1xf32>
    %rsqrt3A_206 = math.rsqrt %add3A_205 : vector<64x1xf32>
    %mul3A_207 = arith.mulf %get3A_123, %rsqrt3A_206 : vector<64x1xf32>
    %mul3A_208 = arith.mulf %dot_general3A_198, %mul3A_207 : vector<64x1xf32>
    %sub3A_209 = arith.subf %get3A_126, %mul3A_208 : vector<64x1xf32>
    %get3A_210 = arith.constant 0 : index
    %get3A_211 = arith.constant 0 : index
    %get3A_212 = vector.load %arg21[%get3A_210, %get3A_211] : memref<64x2048xf32, #tpu.memory_space<vmem>>, vector<64x2048xf32>
    %mul3A_213 = vector.broadcast %mul3A_207 : vector<64x1xf32> to vector<64x2048xf32>
    %mul3A_214 = arith.mulf %get3A_212, %mul3A_213 : vector<64x2048xf32>
    %add3A_215 = vector.broadcast %sub3A_209 : vector<64x1xf32> to vector<64x2048xf32>
    %add3A_216 = arith.addf %mul3A_214, %add3A_215 : vector<64x2048xf32>
    %gt3A = arith.constant 0.000000e+00 : f32
    %gt3A_217 = vector.broadcast %gt3A : f32 to vector<64x2048xf32>
    %gt3A_218 = arith.cmpf ogt, %add3A_216, %gt3A_217 : vector<64x2048xf32>
    %exp3A = math.exp %add3A_216 : vector<64x2048xf32>
    %sub3A_219 = arith.constant 1.000000e+00 : f32
    %sub3A_220 = vector.broadcast %sub3A_219 : f32 to vector<64x2048xf32>
    %sub3A_221 = arith.subf %exp3A, %sub3A_220 : vector<64x2048xf32>
    %select_n3A_222 = arith.select %gt3A_218, %add3A_216, %sub3A_221 : vector<64x2048xi1>, vector<64x2048xf32>
    %get3A_223 = arith.constant 0 : index
    %get3A_224 = arith.constant 0 : index
    %get3A_225 = vector.load %arg12[%get3A_223, %get3A_224] : memref<128x64xf32, #tpu.memory_space<vmem>>, vector<128x64xf32>
    %dot_general3A_226 = arith.constant dense<0.000000e+00> : vector<128x2048xf32>
    %dot_general3A_227 = tpu.matmul %get3A_225, %select_n3A_222, %dot_general3A_226 {dimension_numbers = #tpu.dot_dimension_numbers<[1], [0], [0], [1], [0, 0, 1, 1], [], []>, transpose_lhs_hint = false} : vector<128x64xf32>, vector<64x2048xf32>, vector<128x2048xf32> -> vector<128x2048xf32>
    %get3A_228 = arith.constant 0 : index
    %get3A_229 = arith.constant 0 : index
    %get3A_230 = vector.load %arg13[%get3A_228, %get3A_229] : memref<128x1xf32, #tpu.memory_space<vmem>>, vector<128x1xf32>
    %add3A_231 = vector.broadcast %get3A_230 : vector<128x1xf32> to vector<128x2048xf32>
    %add3A_232 = arith.addf %dot_general3A_227, %add3A_231 : vector<128x2048xf32>
    %reduce_sum3A = arith.constant dense<0.000000e+00> : vector<128xf32>
    %reduce_sum3A_233 = vector.multi_reduction <add>, %add3A_232, %reduce_sum3A [1] : vector<128x2048xf32> to vector<128xf32>
    %broadcast_in_dim3A_234 = vector.shape_cast %reduce_sum3A_233 : vector<128xf32> to vector<128x1xf32>
    %mul3A_235 = arith.mulf %add3A_232, %add3A_232 : vector<128x2048xf32>
    %reduce_sum3A_236 = arith.constant dense<0.000000e+00> : vector<128xf32>
    %reduce_sum3A_237 = vector.multi_reduction <add>, %mul3A_235, %reduce_sum3A_236 [1] : vector<128x2048xf32> to vector<128xf32>
    %broadcast_in_dim3A_238 = vector.shape_cast %reduce_sum3A_237 : vector<128xf32> to vector<128x1xf32>
    %get3A_239 = arith.constant 0 : index
    %get3A_240 = arith.constant 0 : index
    %get3A_241 = vector.load %arg14[%get3A_239, %get3A_240] : memref<128x1xf32, #tpu.memory_space<vmem>>, vector<128x1xf32>
    %get3A_242 = arith.constant 0 : index
    %get3A_243 = arith.constant 0 : index
    %get3A_244 = vector.load %arg15[%get3A_242, %get3A_243] : memref<128x1xf32, #tpu.memory_space<vmem>>, vector<128x1xf32>
    %iota3A_245 = tpu.iota {dimensions = array<i32: 0>} : vector<128x128xi32>
    %jit3A_246 = arith.constant 16 : i32
    %div3A_247 = vector.broadcast %jit3A_246 : i32 to vector<128x128xi32>
    %div3A_248 = arith.divsi %iota3A_245, %div3A_247 : vector<128x128xi32>
    %sign3A_249 = arith.constant 0 : i32
    %sign3A_250 = vector.broadcast %sign3A_249 : i32 to vector<128x128xi32>
    %sign3A_251 = arith.cmpi sgt, %iota3A_245, %sign3A_250 : vector<128x128xi32>
    %sign3A_252 = arith.extui %sign3A_251 : vector<128x128xi1> to vector<128x128xi32>
    %sign3A_253 = arith.constant 0 : i32
    %sign3A_254 = vector.broadcast %sign3A_253 : i32 to vector<128x128xi32>
    %sign3A_255 = arith.cmpi slt, %iota3A_245, %sign3A_254 : vector<128x128xi32>
    %sign3A_256 = arith.extui %sign3A_255 : vector<128x128xi1> to vector<128x128xi32>
    %sign3A_257 = arith.subi %sign3A_252, %sign3A_256 : vector<128x128xi32>
    %sign3A_258 = arith.constant 0 : i32
    %sign3A_259 = arith.cmpi sgt, %jit3A_246, %sign3A_258 : i32
    %sign3A_260 = arith.extui %sign3A_259 : i1 to i32
    %sign3A_261 = arith.constant 0 : i32
    %sign3A_262 = arith.cmpi slt, %jit3A_246, %sign3A_261 : i32
    %sign3A_263 = arith.extui %sign3A_262 : i1 to i32
    %sign3A_264 = arith.subi %sign3A_260, %sign3A_263 : i32
    %ne3A_265 = vector.broadcast %sign3A_264 : i32 to vector<128x128xi32>
    %ne3A_266 = arith.cmpi ne, %sign3A_257, %ne3A_265 : vector<128x128xi32>
    %rem3A_267 = vector.broadcast %jit3A_246 : i32 to vector<128x128xi32>
    %rem3A_268 = arith.remsi %iota3A_245, %rem3A_267 : vector<128x128xi32>
    %ne3A_269 = arith.constant 0 : i32
    %ne3A_270 = vector.broadcast %ne3A_269 : i32 to vector<128x128xi32>
    %ne3A_271 = arith.cmpi ne, %rem3A_268, %ne3A_270 : vector<128x128xi32>
    %and3A_272 = arith.andi %ne3A_266, %ne3A_271 : vector<128x128xi1>
    %sub3A_273 = arith.constant 1 : i32
    %sub3A_274 = vector.broadcast %sub3A_273 : i32 to vector<128x128xi32>
    %sub3A_275 = arith.subi %div3A_248, %sub3A_274 : vector<128x128xi32>
    %select_n3A_276 = arith.select %and3A_272, %sub3A_275, %div3A_248 : vector<128x128xi1>, vector<128x128xi32>
    %iota3A_277 = tpu.iota {dimensions = array<i32: 1>} : vector<128x128xi32>
    %jit3A_278 = arith.constant 16 : i32
    %div3A_279 = vector.broadcast %jit3A_278 : i32 to vector<128x128xi32>
    %div3A_280 = arith.divsi %iota3A_277, %div3A_279 : vector<128x128xi32>
    %sign3A_281 = arith.constant 0 : i32
    %sign3A_282 = vector.broadcast %sign3A_281 : i32 to vector<128x128xi32>
    %sign3A_283 = arith.cmpi sgt, %iota3A_277, %sign3A_282 : vector<128x128xi32>
    %sign3A_284 = arith.extui %sign3A_283 : vector<128x128xi1> to vector<128x128xi32>
    %sign3A_285 = arith.constant 0 : i32
    %sign3A_286 = vector.broadcast %sign3A_285 : i32 to vector<128x128xi32>
    %sign3A_287 = arith.cmpi slt, %iota3A_277, %sign3A_286 : vector<128x128xi32>
    %sign3A_288 = arith.extui %sign3A_287 : vector<128x128xi1> to vector<128x128xi32>
    %sign3A_289 = arith.subi %sign3A_284, %sign3A_288 : vector<128x128xi32>
    %sign3A_290 = arith.constant 0 : i32
    %sign3A_291 = arith.cmpi sgt, %jit3A_278, %sign3A_290 : i32
    %sign3A_292 = arith.extui %sign3A_291 : i1 to i32
    %sign3A_293 = arith.constant 0 : i32
    %sign3A_294 = arith.cmpi slt, %jit3A_278, %sign3A_293 : i32
    %sign3A_295 = arith.extui %sign3A_294 : i1 to i32
    %sign3A_296 = arith.subi %sign3A_292, %sign3A_295 : i32
    %ne3A_297 = vector.broadcast %sign3A_296 : i32 to vector<128x128xi32>
    %ne3A_298 = arith.cmpi ne, %sign3A_289, %ne3A_297 : vector<128x128xi32>
    %rem3A_299 = vector.broadcast %jit3A_278 : i32 to vector<128x128xi32>
    %rem3A_300 = arith.remsi %iota3A_277, %rem3A_299 : vector<128x128xi32>
    %ne3A_301 = arith.constant 0 : i32
    %ne3A_302 = vector.broadcast %ne3A_301 : i32 to vector<128x128xi32>
    %ne3A_303 = arith.cmpi ne, %rem3A_300, %ne3A_302 : vector<128x128xi32>
    %and3A_304 = arith.andi %ne3A_298, %ne3A_303 : vector<128x128xi1>
    %sub3A_305 = arith.constant 1 : i32
    %sub3A_306 = vector.broadcast %sub3A_305 : i32 to vector<128x128xi32>
    %sub3A_307 = arith.subi %div3A_280, %sub3A_306 : vector<128x128xi32>
    %select_n3A_308 = arith.select %and3A_304, %sub3A_307, %div3A_280 : vector<128x128xi1>, vector<128x128xi32>
    %eq3A_309 = arith.cmpi eq, %select_n3A_276, %select_n3A_308 : vector<128x128xi32>
    %jit3A_310 = arith.constant 3.05175781E-5 : f32
    %jit3A_311 = arith.constant 0.000000e+00 : f32
    %broadcast_in_dim3A_312 = vector.broadcast %jit3A_310 : f32 to vector<128x128xf32>
    %broadcast_in_dim3A_313 = vector.broadcast %jit3A_311 : f32 to vector<128x128xf32>
    %select_n3A_314 = arith.select %eq3A_309, %broadcast_in_dim3A_312, %broadcast_in_dim3A_313 : vector<128x128xi1>, vector<128x128xf32>
    %dot_general3A_315 = arith.constant dense<0.000000e+00> : vector<128x1xf32>
    %dot_general3A_316 = tpu.matmul %select_n3A_314, %broadcast_in_dim3A_234, %dot_general3A_315 {dimension_numbers = #tpu.dot_dimension_numbers<[1], [0], [0], [1], [0, 0, 1, 1], [], []>, transpose_lhs_hint = false} : vector<128x128xf32>, vector<128x1xf32>, vector<128x1xf32> -> vector<128x1xf32>
    %dot_general3A_317 = arith.constant dense<0.000000e+00> : vector<128x1xf32>
    %dot_general3A_318 = tpu.matmul %select_n3A_314, %broadcast_in_dim3A_238, %dot_general3A_317 {dimension_numbers = #tpu.dot_dimension_numbers<[1], [0], [0], [1], [0, 0, 1, 1], [], []>, transpose_lhs_hint = false} : vector<128x128xf32>, vector<128x1xf32>, vector<128x1xf32> -> vector<128x1xf32>
    %mul3A_319 = arith.mulf %dot_general3A_316, %dot_general3A_316 : vector<128x1xf32>
    %sub3A_320 = arith.subf %dot_general3A_318, %mul3A_319 : vector<128x1xf32>
    %add3A_321 = arith.constant 9.99999974E-6 : f32
    %add3A_322 = vector.broadcast %add3A_321 : f32 to vector<128x1xf32>
    %add3A_323 = arith.addf %sub3A_320, %add3A_322 : vector<128x1xf32>
    %rsqrt3A_324 = math.rsqrt %add3A_323 : vector<128x1xf32>
    %mul3A_325 = arith.mulf %get3A_241, %rsqrt3A_324 : vector<128x1xf32>
    %mul3A_326 = arith.mulf %dot_general3A_316, %mul3A_325 : vector<128x1xf32>
    %sub3A_327 = arith.subf %get3A_244, %mul3A_326 : vector<128x1xf32>
    %mul3A_328 = vector.broadcast %mul3A_325 : vector<128x1xf32> to vector<128x2048xf32>
    %mul3A_329 = arith.mulf %add3A_232, %mul3A_328 : vector<128x2048xf32>
    %add3A_330 = vector.broadcast %sub3A_327 : vector<128x1xf32> to vector<128x2048xf32>
    %add3A_331 = arith.addf %mul3A_329, %add3A_330 : vector<128x2048xf32>
    %gt3A_332 = arith.constant 0.000000e+00 : f32
    %gt3A_333 = vector.broadcast %gt3A_332 : f32 to vector<128x2048xf32>
    %gt3A_334 = arith.cmpf ogt, %add3A_331, %gt3A_333 : vector<128x2048xf32>
    %exp3A_335 = math.exp %add3A_331 : vector<128x2048xf32>
    %sub3A_336 = arith.constant 1.000000e+00 : f32
    %sub3A_337 = vector.broadcast %sub3A_336 : f32 to vector<128x2048xf32>
    %sub3A_338 = arith.subf %exp3A_335, %sub3A_337 : vector<128x2048xf32>
    %select_n3A_339 = arith.select %gt3A_334, %add3A_331, %sub3A_338 : vector<128x2048xi1>, vector<128x2048xf32>
    %get3A_340 = arith.constant 0 : index
    %get3A_341 = arith.constant 0 : index
    %get3A_342 = vector.load %arg16[%get3A_340, %get3A_341] : memref<256x128xf32, #tpu.memory_space<vmem>>, vector<256x128xf32>
    %dot_general3A_343 = arith.constant dense<0.000000e+00> : vector<256x2048xf32>
    %dot_general3A_344 = tpu.matmul %get3A_342, %select_n3A_339, %dot_general3A_343 {dimension_numbers = #tpu.dot_dimension_numbers<[1], [0], [0], [1], [0, 0, 1, 1], [], []>, transpose_lhs_hint = false} : vector<256x128xf32>, vector<128x2048xf32>, vector<256x2048xf32> -> vector<256x2048xf32>
    %get3A_345 = arith.constant 0 : index
    %get3A_346 = arith.constant 0 : index
    %get3A_347 = vector.load %arg17[%get3A_345, %get3A_346] : memref<256x1xf32, #tpu.memory_space<vmem>>, vector<256x1xf32>
    %add3A_348 = vector.broadcast %get3A_347 : vector<256x1xf32> to vector<256x2048xf32>
    %add3A_349 = arith.addf %dot_general3A_344, %add3A_348 : vector<256x2048xf32>
    %reduce_sum3A_350 = arith.constant dense<0.000000e+00> : vector<256xf32>
    %reduce_sum3A_351 = vector.multi_reduction <add>, %add3A_349, %reduce_sum3A_350 [1] : vector<256x2048xf32> to vector<256xf32>
    %broadcast_in_dim3A_352 = vector.shape_cast %reduce_sum3A_351 : vector<256xf32> to vector<256x1xf32>
    %mul3A_353 = arith.mulf %add3A_349, %add3A_349 : vector<256x2048xf32>
    %reduce_sum3A_354 = arith.constant dense<0.000000e+00> : vector<256xf32>
    %reduce_sum3A_355 = vector.multi_reduction <add>, %mul3A_353, %reduce_sum3A_354 [1] : vector<256x2048xf32> to vector<256xf32>
    %broadcast_in_dim3A_356 = vector.shape_cast %reduce_sum3A_355 : vector<256xf32> to vector<256x1xf32>
    %get3A_357 = arith.constant 0 : index
    %get3A_358 = arith.constant 0 : index
    %get3A_359 = vector.load %arg18[%get3A_357, %get3A_358] : memref<256x1xf32, #tpu.memory_space<vmem>>, vector<256x1xf32>
    %get3A_360 = arith.constant 0 : index
    %get3A_361 = arith.constant 0 : index
    %get3A_362 = vector.load %arg19[%get3A_360, %get3A_361] : memref<256x1xf32, #tpu.memory_space<vmem>>, vector<256x1xf32>
    %iota3A_363 = tpu.iota {dimensions = array<i32: 0>} : vector<256x256xi32>
    %jit3A_364 = arith.constant 32 : i32
    %div3A_365 = vector.broadcast %jit3A_364 : i32 to vector<256x256xi32>
    %div3A_366 = arith.divsi %iota3A_363, %div3A_365 : vector<256x256xi32>
    %sign3A_367 = arith.constant 0 : i32
    %sign3A_368 = vector.broadcast %sign3A_367 : i32 to vector<256x256xi32>
    %sign3A_369 = arith.cmpi sgt, %iota3A_363, %sign3A_368 : vector<256x256xi32>
    %sign3A_370 = arith.extui %sign3A_369 : vector<256x256xi1> to vector<256x256xi32>
    %sign3A_371 = arith.constant 0 : i32
    %sign3A_372 = vector.broadcast %sign3A_371 : i32 to vector<256x256xi32>
    %sign3A_373 = arith.cmpi slt, %iota3A_363, %sign3A_372 : vector<256x256xi32>
    %sign3A_374 = arith.extui %sign3A_373 : vector<256x256xi1> to vector<256x256xi32>
    %sign3A_375 = arith.subi %sign3A_370, %sign3A_374 : vector<256x256xi32>
    %sign3A_376 = arith.constant 0 : i32
    %sign3A_377 = arith.cmpi sgt, %jit3A_364, %sign3A_376 : i32
    %sign3A_378 = arith.extui %sign3A_377 : i1 to i32
    %sign3A_379 = arith.constant 0 : i32
    %sign3A_380 = arith.cmpi slt, %jit3A_364, %sign3A_379 : i32
    %sign3A_381 = arith.extui %sign3A_380 : i1 to i32
    %sign3A_382 = arith.subi %sign3A_378, %sign3A_381 : i32
    %ne3A_383 = vector.broadcast %sign3A_382 : i32 to vector<256x256xi32>
    %ne3A_384 = arith.cmpi ne, %sign3A_375, %ne3A_383 : vector<256x256xi32>
    %rem3A_385 = vector.broadcast %jit3A_364 : i32 to vector<256x256xi32>
    %rem3A_386 = arith.remsi %iota3A_363, %rem3A_385 : vector<256x256xi32>
    %ne3A_387 = arith.constant 0 : i32
    %ne3A_388 = vector.broadcast %ne3A_387 : i32 to vector<256x256xi32>
    %ne3A_389 = arith.cmpi ne, %rem3A_386, %ne3A_388 : vector<256x256xi32>
    %and3A_390 = arith.andi %ne3A_384, %ne3A_389 : vector<256x256xi1>
    %sub3A_391 = arith.constant 1 : i32
    %sub3A_392 = vector.broadcast %sub3A_391 : i32 to vector<256x256xi32>
    %sub3A_393 = arith.subi %div3A_366, %sub3A_392 : vector<256x256xi32>
    %select_n3A_394 = arith.select %and3A_390, %sub3A_393, %div3A_366 : vector<256x256xi1>, vector<256x256xi32>
    %iota3A_395 = tpu.iota {dimensions = array<i32: 1>} : vector<256x256xi32>
    %jit3A_396 = arith.constant 32 : i32
    %div3A_397 = vector.broadcast %jit3A_396 : i32 to vector<256x256xi32>
    %div3A_398 = arith.divsi %iota3A_395, %div3A_397 : vector<256x256xi32>
    %sign3A_399 = arith.constant 0 : i32
    %sign3A_400 = vector.broadcast %sign3A_399 : i32 to vector<256x256xi32>
    %sign3A_401 = arith.cmpi sgt, %iota3A_395, %sign3A_400 : vector<256x256xi32>
    %sign3A_402 = arith.extui %sign3A_401 : vector<256x256xi1> to vector<256x256xi32>
    %sign3A_403 = arith.constant 0 : i32
    %sign3A_404 = vector.broadcast %sign3A_403 : i32 to vector<256x256xi32>
    %sign3A_405 = arith.cmpi slt, %iota3A_395, %sign3A_404 : vector<256x256xi32>
    %sign3A_406 = arith.extui %sign3A_405 : vector<256x256xi1> to vector<256x256xi32>
    %sign3A_407 = arith.subi %sign3A_402, %sign3A_406 : vector<256x256xi32>
    %sign3A_408 = arith.constant 0 : i32
    %sign3A_409 = arith.cmpi sgt, %jit3A_396, %sign3A_408 : i32
    %sign3A_410 = arith.extui %sign3A_409 : i1 to i32
    %sign3A_411 = arith.constant 0 : i32
    %sign3A_412 = arith.cmpi slt, %jit3A_396, %sign3A_411 : i32
    %sign3A_413 = arith.extui %sign3A_412 : i1 to i32
    %sign3A_414 = arith.subi %sign3A_410, %sign3A_413 : i32
    %ne3A_415 = vector.broadcast %sign3A_414 : i32 to vector<256x256xi32>
    %ne3A_416 = arith.cmpi ne, %sign3A_407, %ne3A_415 : vector<256x256xi32>
    %rem3A_417 = vector.broadcast %jit3A_396 : i32 to vector<256x256xi32>
    %rem3A_418 = arith.remsi %iota3A_395, %rem3A_417 : vector<256x256xi32>
    %ne3A_419 = arith.constant 0 : i32
    %ne3A_420 = vector.broadcast %ne3A_419 : i32 to vector<256x256xi32>
    %ne3A_421 = arith.cmpi ne, %rem3A_418, %ne3A_420 : vector<256x256xi32>
    %and3A_422 = arith.andi %ne3A_416, %ne3A_421 : vector<256x256xi1>
    %sub3A_423 = arith.constant 1 : i32
    %sub3A_424 = vector.broadcast %sub3A_423 : i32 to vector<256x256xi32>
    %sub3A_425 = arith.subi %div3A_398, %sub3A_424 : vector<256x256xi32>
    %select_n3A_426 = arith.select %and3A_422, %sub3A_425, %div3A_398 : vector<256x256xi1>, vector<256x256xi32>
    %eq3A_427 = arith.cmpi eq, %select_n3A_394, %select_n3A_426 : vector<256x256xi32>
    %jit3A_428 = arith.constant 1.52587891E-5 : f32
    %jit3A_429 = arith.constant 0.000000e+00 : f32
    %broadcast_in_dim3A_430 = vector.broadcast %jit3A_428 : f32 to vector<256x256xf32>
    %broadcast_in_dim3A_431 = vector.broadcast %jit3A_429 : f32 to vector<256x256xf32>
    %select_n3A_432 = arith.select %eq3A_427, %broadcast_in_dim3A_430, %broadcast_in_dim3A_431 : vector<256x256xi1>, vector<256x256xf32>
    %dot_general3A_433 = arith.constant dense<0.000000e+00> : vector<256x1xf32>
    %dot_general3A_434 = tpu.matmul %select_n3A_432, %broadcast_in_dim3A_352, %dot_general3A_433 {dimension_numbers = #tpu.dot_dimension_numbers<[1], [0], [0], [1], [0, 0, 1, 1], [], []>, transpose_lhs_hint = false} : vector<256x256xf32>, vector<256x1xf32>, vector<256x1xf32> -> vector<256x1xf32>
    %dot_general3A_435 = arith.constant dense<0.000000e+00> : vector<256x1xf32>
    %dot_general3A_436 = tpu.matmul %select_n3A_432, %broadcast_in_dim3A_356, %dot_general3A_435 {dimension_numbers = #tpu.dot_dimension_numbers<[1], [0], [0], [1], [0, 0, 1, 1], [], []>, transpose_lhs_hint = false} : vector<256x256xf32>, vector<256x1xf32>, vector<256x1xf32> -> vector<256x1xf32>
    %mul3A_437 = arith.mulf %dot_general3A_434, %dot_general3A_434 : vector<256x1xf32>
    %sub3A_438 = arith.subf %dot_general3A_436, %mul3A_437 : vector<256x1xf32>
    %add3A_439 = arith.constant 9.99999974E-6 : f32
    %add3A_440 = vector.broadcast %add3A_439 : f32 to vector<256x1xf32>
    %add3A_441 = arith.addf %sub3A_438, %add3A_440 : vector<256x1xf32>
    %rsqrt3A_442 = math.rsqrt %add3A_441 : vector<256x1xf32>
    %mul3A_443 = arith.mulf %get3A_359, %rsqrt3A_442 : vector<256x1xf32>
    %mul3A_444 = arith.mulf %dot_general3A_434, %mul3A_443 : vector<256x1xf32>
    %sub3A_445 = arith.subf %get3A_362, %mul3A_444 : vector<256x1xf32>
    %mul3A_446 = vector.broadcast %mul3A_443 : vector<256x1xf32> to vector<256x2048xf32>
    %mul3A_447 = arith.mulf %add3A_349, %mul3A_446 : vector<256x2048xf32>
    %add3A_448 = vector.broadcast %sub3A_445 : vector<256x1xf32> to vector<256x2048xf32>
    %add3A_449 = arith.addf %mul3A_447, %add3A_448 : vector<256x2048xf32>
    %gt3A_450 = arith.constant 0.000000e+00 : f32
    %gt3A_451 = vector.broadcast %gt3A_450 : f32 to vector<256x2048xf32>
    %gt3A_452 = arith.cmpf ogt, %add3A_449, %gt3A_451 : vector<256x2048xf32>
    %exp3A_453 = math.exp %add3A_449 : vector<256x2048xf32>
    %sub3A_454 = arith.constant 1.000000e+00 : f32
    %sub3A_455 = vector.broadcast %sub3A_454 : f32 to vector<256x2048xf32>
    %sub3A_456 = arith.subf %exp3A_453, %sub3A_455 : vector<256x2048xf32>
    %select_n3A_457 = arith.select %gt3A_452, %add3A_449, %sub3A_456 : vector<256x2048xi1>, vector<256x2048xf32>
    %swap3A_458 = arith.constant 0 : index
    %swap3A_459 = arith.constant 0 : index
    %swap3A_460 = arith.constant 0 : index
    %swap3A_461 = vector.load %arg20[%swap3A_458, %swap3A_459, %swap3A_460] : memref<1x256x2048xf32, #tpu.memory_space<vmem>>, vector<1x256x2048xf32>
    %swap3A_462 = vector.shape_cast %swap3A_461 : vector<1x256x2048xf32> to vector<256x2048xf32>
    %swap3A_463 = vector.shape_cast %select_n3A_457 : vector<256x2048xf32> to vector<1x256x2048xf32>
    tpu.vector_store %arg20[%swap3A_458, %swap3A_459, %swap3A_460], %swap3A_463 {strides = array<i32>} : memref<1x256x2048xf32, #tpu.memory_space<vmem>>, vector<1x256x2048xf32>,
    return
  }
  func.func @transform_0(%arg0: i32) -> (i32, i32, i32) {
    %c0_i32 = arith.constant 0 : i32
    %c0_i32_0 = arith.constant 0 : i32
    %c0_i32_1 = arith.constant 0 : i32
    return %arg0, %c0_i32, %c0_i32_0 : i32, i32, i32
  }
  func.func @transform_1(%arg0: i32) -> (i32, i32, i32, i32) {
    %c0_i32 = arith.constant 0 : i32
    %c0_i32_0 = arith.constant 0 : i32
    %c0_i32_1 = arith.constant 0 : i32
    %c0_i32_2 = arith.constant 0 : i32
    return %arg0, %c0_i32, %c0_i32_0, %c0_i32_1 : i32, i32, i32, i32
  }
  func.func @transform_2(%arg0: i32) -> (i32, i32) {
    %c0_i32 = arith.constant 0 : i32
    %c0_i32_0 = arith.constant 0 : i32
    %c0_i32_1 = arith.constant 0 : i32
    return %c0_i32, %c0_i32_0 : i32, i32
  }
  func.func @transform_3(%arg0: i32) -> (i32, i32) {
    %c0_i32 = arith.constant 0 : i32
    %c0_i32_0 = arith.constant 0 : i32
    %c0_i32_1 = arith.constant 0 : i32
    return %c0_i32, %c0_i32_0 : i32, i32
  }
  func.func @transform_4(%arg0: i32) -> (i32, i32) {
    %c0_i32 = arith.constant 0 : i32
    %c0_i32_0 = arith.constant 0 : i32
    %c0_i32_1 = arith.constant 0 : i32
    return %c0_i32, %c0_i32_0 : i32, i32
  }
  func.func @transform_5(%arg0: i32) -> (i32, i32) {
    %c0_i32 = arith.constant 0 : i32
    %c0_i32_0 = arith.constant 0 : i32
    %c0_i32_1 = arith.constant 0 : i32
    return %c0_i32, %c0_i32_0 : i32, i32
  }
  func.func @transform_6(%arg0: i32) -> (i32, i32) {
    %c0_i32 = arith.constant 0 : i32
    %c0_i32_0 = arith.constant 0 : i32
    %c0_i32_1 = arith.constant 0 : i32
    return %c0_i32, %c0_i32_0 : i32, i32
  }
  func.func @transform_7(%arg0: i32) -> (i32, i32) {
    %c0_i32 = arith.constant 0 : i32
    %c0_i32_0 = arith.constant 0 : i32
    %c0_i32_1 = arith.constant 0 : i32
    return %c0_i32, %c0_i32_0 : i32, i32
  }
  func.func @transform_8(%arg0: i32) -> (i32, i32) {
    %c0_i32 = arith.constant 0 : i32
    %c0_i32_0 = arith.constant 0 : i32
    %c0_i32_1 = arith.constant 0 : i32
    return %c0_i32, %c0_i32_0 : i32, i32
  }
  func.func @transform_9(%arg0: i32) -> (i32, i32) {
    %c0_i32 = arith.constant 0 : i32
    %c0_i32_0 = arith.constant 0 : i32
    %c0_i32_1 = arith.constant 0 : i32
    return %c0_i32, %c0_i32_0 : i32, i32
  }
  func.func @transform_10(%arg0: i32) -> (i32, i32) {
    %c0_i32 = arith.constant 0 : i32
    %c0_i32_0 = arith.constant 0 : i32
    %c0_i32_1 = arith.constant 0 : i32
    return %c0_i32, %c0_i32_0 : i32, i32
  }
  func.func @transform_11(%arg0: i32) -> (i32, i32) {
    %c0_i32 = arith.constant 0 : i32
    %c0_i32_0 = arith.constant 0 : i32
    %c0_i32_1 = arith.constant 0 : i32
    return %c0_i32, %c0_i32_0 : i32, i32
  }
  func.func @transform_12(%arg0: i32) -> (i32, i32) {
    %c0_i32 = arith.constant 0 : i32
    %c0_i32_0 = arith.constant 0 : i32
    %c0_i32_1 = arith.constant 0 : i32
    return %c0_i32, %c0_i32_0 : i32, i32
  }
  func.func @transform_13(%arg0: i32) -> (i32, i32) {
    %c0_i32 = arith.constant 0 : i32
    %c0_i32_0 = arith.constant 0 : i32
    %c0_i32_1 = arith.constant 0 : i32
    return %c0_i32, %c0_i32_0 : i32, i32
  }
  func.func @transform_14(%arg0: i32) -> (i32, i32) {
    %c0_i32 = arith.constant 0 : i32
    %c0_i32_0 = arith.constant 0 : i32
    %c0_i32_1 = arith.constant 0 : i32
    return %c0_i32, %c0_i32_0 : i32, i32
  }
  func.func @transform_15(%arg0: i32) -> (i32, i32) {
    %c0_i32 = arith.constant 0 : i32
    %c0_i32_0 = arith.constant 0 : i32
    %c0_i32_1 = arith.constant 0 : i32
    return %c0_i32, %c0_i32_0 : i32, i32
  }
  func.func @transform_16(%arg0: i32) -> (i32, i32) {
    %c0_i32 = arith.constant 0 : i32
    %c0_i32_0 = arith.constant 0 : i32
    %c0_i32_1 = arith.constant 0 : i32
    return %c0_i32, %c0_i32_0 : i32, i32
  }
  func.func @transform_17(%arg0: i32) -> (i32, i32) {
    %c0_i32 = arith.constant 0 : i32
    %c0_i32_0 = arith.constant 0 : i32
    %c0_i32_1 = arith.constant 0 : i32
    return %c0_i32, %c0_i32_0 : i32, i32
  }
  func.func @transform_18(%arg0: i32) -> (i32, i32) {
    %c0_i32 = arith.constant 0 : i32
    %c0_i32_0 = arith.constant 0 : i32
    %c0_i32_1 = arith.constant 0 : i32
    return %c0_i32, %c0_i32_0 : i32, i32
  }
  func.func @transform_19(%arg0: i32) -> (i32, i32, i32) {
    %c0_i32 = arith.constant 0 : i32
    %c0_i32_0 = arith.constant 0 : i32
    %c0_i32_1 = arith.constant 0 : i32
    return %arg0, %c0_i32, %c0_i32_0 : i32, i32, i32
  }
}

</mosaic_0001>

<sc_bundles>
// kernel: kernel.5.cloned.1.call-start
scs
__scs_entry_jumppad:
0x0: {  	(pc) =	sbr.rel $0x88, $3  }
0x1: {  	(tag) =	ssettag $0x0;
	lr =	simm.s32 $0x1  }
0x2: {  	[smem:$0x3F90] =	sst lr;
	_ =	strace $0xD0000000  }
0x3: {  	_ = 	snop  }
0x4: {  	_ = 	snop  }
0x5: {  	_ = 	snop  }
0x6: {  	_ = 	snop  }
0x7: {  	_ = 	snop  }
__scs_overlays_trampoline_lowered:
0x8: {  	[smem:$0x3F9F] =	sst s0  }
0x9: {  	[smem:$0x3FA0] =	sst s1  }
0xa: {  	[smem:$0x3FA1] =	sst s2  }
0xb: {  	[smem:$0x3FA2] =	sst s3  }
0xc: {  	[smem:$0x3FA3] =	sst s4  }
0xd: {  	[smem:$0x3FA4] =	sst s5  }
0xe: {  	[smem:$0x3FA5] =	sst s6  }
0xf: {  	[smem:$0x3FA6] =	sst s7  }
0x10: {  	[smem:$0x3FA7] =	sst s8  }
0x11: {  	[smem:$0x3FA8] =	sst s9;
	s0 =	simm.s32 @!p0 $0x0  }
0x12: {  	s1 =	sld [smem:$0x3F8E];
	s0 =	simm.s32 @p0 $0x1  }
0x13: {  	[smem:$0x3FA9] =	sst s0;
	s0 =	simm.s32 @!p1 $0x0  }
0x14: {  	s2 =	sld [smem:$0x3F8D];
	s0 =	simm.s32 @p1 $0x1  }
0x15: {  	[smem:$0x3FAA] =	sst s0;
	s0 =	simm.s32 @!p2 $0x0  }
0x16: {  	s3 =	sld [smem:$0x3FDB];
	s0 =	simm.s32 @p2 $0x1  }
0x17: {  	s4 =	simm.s32 $0x1BF5;
	[smem:$0x3FAC] =	sst s0  }
0x18: {  	s0 =	sld [smem:$0x3F8F];
	_ =	swait.ge [sflag:s4], $0x0  }
0x19: {  	s7 =	sld [smem:$0x3F90]  }
0x1a: {  	s8 =	sadd.s32 $0xFFFFE003, lr  }
0x1b: {  	s9 =	sadd.s32 $0xFFFFFEF7, lr;
	s5 =	simm.s32 $0xFFFFFFFF;
	p2 =	slt.u32 s8, $0xFFFFF086  }
0x1c: {  	p1 =	slt.u32 s9, $0xF7A;
	s5 =	simm.s32 @!p2 $0x0  }
0x1d: {  	s5 =	simm.s32 @p1 $0x1;
	p0 =	seq.s32 s7, s2  }
0x1e: {  	s7 =	smul.u32 @!p0 $0xF7A, s2;
	p2 =	seq.s32 @!p0 s5, $0x0  }
0x1f: {  	s9 =	smul.u32 $0xF7A, s1;
	s8 =	simm.s32 @!p0 $0x1BF5;
	p2 =	por !p2, p0  }
0x20: {  	[sflag:s8] =	ssyncset.s32 @!p0 $0xFFFFF086;
	s6 =	sadd.s32 @!p0 s3, s7;
	s7 =	simm.s32 @!p0 $0x108  }
0x21: {  	s3 =	sadd.s32 s3, s9;
	s6 =	sadd.s32 @!p0 $0x88, s6;
	s7 =	simm.s32 @p2 $0x1082  }
0x22: {  	[simem:s7], [sflag:s8] =	dma.local @!p0 [hbm:s6], $0xF7A  }
0x23: {  	s9 =	sor.u32 $0xD0000000, s2;
	s6 =	simm.s32 $0x108;
	_ =	swait.ge @!p0 [sflag:s8], $0x0  }
0x24: {  	s3 =	sadd.s32 $0x88, s3;
	s6 =	simm.s32 @!p1 $0x1082;
	[sflag:s4] =	ssyncset.s32 $0xFFFFF086  }
0x25: {  	[simem:s6], [sflag:s4] =	dma.local [hbm:s3], $0xF7A  }
0x26: {  	[smem:$0x3F90] =	sst s1;
	(tag) =	ssettag s2;
	_ =	strace s9  }
0x27: {  	s1 =	sld [smem:$0x3FA0]  }
0x28: {  	s2 =	sld [smem:$0x3FA1]  }
0x29: {  	s4 =	sld [smem:$0x3FA3]  }
0x2a: {  	p0 =	seq.s32 s5, $0x0;
	s5 =	sld [smem:$0x3FA4]  }
0x2b: {  	s6 =	sld [smem:$0x3FA5]  }
0x2c: {  	s7 =	sld [smem:$0x3FA6]  }
0x2d: {  	s3 =	simm.s32 $0x108;
	s8 =	sld [smem:$0x3FA7]  }
0x2e: {  	s3 =	simm.s32 @!p0 $0x1082;
	s9 =	sld [smem:$0x3FA8]  }
0x2f: {  	lr =	sadd.s32 s0, s3;
	s0 =	sld [smem:$0x3F9F]  }
0x30: {  	s3 =	sld [smem:$0x3FA2]  }
0x31: {  	[smem:$0x3FAB] =	sst s10  }
0x32: {  	s10 =	sld [smem:$0x3FA9];
	_ =	sdelay $0x3  }
0x33: {  	p0 =	seq.s32 s10, $0x1;
	s10 =	sld [smem:$0x3FAB];
	_ =	sdelay $0x3  }
0x34: {  	[smem:$0x3FAB] =	sst s10  }
0x35: {  	s10 =	sld [smem:$0x3FAA];
	_ =	sdelay $0x3  }
0x36: {  	p1 =	seq.s32 s10, $0x1;
	s10 =	sld [smem:$0x3FAB];
	_ =	sdelay $0x3  }
0x37: {  	[smem:$0x3FAB] =	sst s10  }
0x38: {  	s10 =	sld [smem:$0x3FAC]  }
0x39: {  	_ = 	snop;
	(pc) =	sbr.ind lr, $3  }
0x3a: {  	_ = 	snop  }
0x3b: {  	_ = 	snop  }
0x3c: {  	p2 =	seq.s32 s10, $0x1;
	s10 =	sld [smem:$0x3FAB]  }
0x3d: {  	_ =	shalt  }
0x3e: {  	_ =	shalt  }
0x3f: {  	_ =	shalt  }
0x40: {  	_ =	shalt  }
0x41: {  	_ =	shalt  }
0x42: {  	_ =	shalt  }
0x43: {  	_ =	shalt  }
0x44: {  	_ =	shalt  }
0x45: {  	_ =	shalt  }
0x46: {  	_ =	shalt  }
0x47: {  	_ =	shalt  }
0x48: {  	_ =	shalt  }
0x49: {  	_ =	shalt  }
0x4a: {  	_ =	shalt  }
0x4b: {  	_ =	shalt  }
0x4c: {  	_ =	shalt  }
0x4d: {  	_ =	shalt  }
0x4e: {  	_ =	shalt  }
0x4f: {  	_ =	shalt  }
0x50: {  	_ =	shalt  }
0x51: {  	_ =	shalt  }
0x52: {  	_ =	shalt  }
0x53: {  	_ =	shalt  }
0x54: {  	_ =	shalt  }
0x55: {  	_ =	shalt  }
0x56: {  	_ =	shalt  }
0x57: {  	_ =	shalt  }
0x58: {  	_ =	shalt  }
0x59: {  	_ =	shalt  }
0x5a: {  	_ =	shalt  }
0x5b: {  	_ =	shalt  }
0x5c: {  	_ =	shalt  }
0x5d: {  	_ =	shalt  }
0x5e: {  	_ =	shalt  }
0x5f: {  	_ =	shalt  }
0x60: {  	_ =	shalt  }
0x61: {  	_ =	shalt  }
0x62: {  	_ =	shalt  }
0x63: {  	_ =	shalt  }
0x64: {  	_ =	shalt  }
0x65: {  	_ =	shalt  }
0x66: {  	_ =	shalt  }
0x67: {  	_ =	shalt  }
0x68: {  	_ =	shalt  }
0x69: {  	_ =	shalt  }
0x6a: {  	_ =	shalt  }
0x6b: {  	_ =	shalt  }
0x6c: {  	_ =	shalt  }
0x6d: {  	_ =	shalt  }
0x6e: {  	_ =	shalt  }
0x6f: {  	_ =	shalt  }
0x70: {  	_ =	shalt  }
0x71: {  	_ =	shalt  }
0x72: {  	_ =	shalt  }
0x73: {  	_ =	shalt  }
0x74: {  	_ =	shalt  }
0x75: {  	_ =	shalt  }
0x76: {  	_ =	shalt  }
0x77: {  	_ =	shalt  }
0x78: {  	_ =	shalt  }
0x79: {  	_ =	shalt  }
0x7a: {  	_ =	shalt  }
0x7b: {  	_ =	shalt  }
0x7c: {  	_ =	shalt  }
0x7d: {  	_ =	shalt  }
0x7e: {  	_ =	shalt  }
0x7f: {  	_ =	shalt  }
0x80: {  	_ =	shalt  }
0x81: {  	_ =	shalt  }
0x82: {  	_ =	shalt  }
0x83: {  	_ =	shalt  }
0x84: {  	_ =	shalt  }
0x85: {  	_ =	shalt  }
0x86: {  	_ =	shalt  }
0x87: {  	_ =	shalt  }
.Lfunc_end0:
.L_simem_size_0:
called_computation.1_lowered:
.L_overlay_start_0:
0x88: {  	s2 =	sld [smem:$0x3FD9]  }
0x89: {  	s3 =	sld [smem:$0x3FFE];
	_ =	sdelay $0x1  }
0x8a: {  	s1 =	srdreg.scid  }
0x8b: {  	s0 =	sand.u32 $0x1, s1  }
0x8c: {  	s16 =	sshll.u32 s0, $0xA;
	s2 =	sadd.s32 s3, s2  }
0x8d: {  	s2 =	sadd.s32 s2, s16  }
0x8e: {  	[smem:$0x3FB7] =	sst s2  }
0x8f: {  	_ = 	snop  }
0x90: {  	(tm) =	ssettm $0x1  }
0x91: {  	s17 =	sld [smem:$0x3FFB];
	_ =	sdelay $0x3  }
0x92: {  	_ =	strace s17  }
0x93: {  	s2 =	sld [smem:$0x3FFC];
	_ =	sdelay $0x3  }
0x94: {  	_ =	strace s2  }
0x95: {  	s2 =	sld [smem:$0x3FFD];
	_ =	sdelay $0x3  }
0x96: {  	_ =	strace s2  }
0x97: {  	_ =	strace $0x8FFFFFFF  }
0x98: {  	s18 =	sld [smem:$0x3FDB];
	_ =	sdelay $0x1  }
0x99: {  	s19 =	simm.s32 $_scs_section_size  }
0x9a: {  	s4 =	simm.s32 $_size__tile_overlayer_lowered;
	s5 =	simm.s32 $_tile_overlayer_lowered  }
0x9b: {  	s22 =	simm.s32 $0x1BFF;
	s21 =	sshll.u32 s5, $0x1;
	s2 =	sadd.s32 s19, s18  }
0x9c: {  	s6 =	simm.s32 $0x0;
	s20 =	sshll.u32 s4, $0x1;
	s4 =	sadd.s32 s21, s2  }
0x9d: {  	[timem:s6], [sflag:s22] =	dma.local [hbm:s4], s20  }
0x9e: {  	_ =	swait.ge [sflag:s22], s20  }
0x9f: {  	s3 =	ssub.s32 $0x0, s20;
	[sflag:s22] =	ssyncset.done $0x0  }
0xa0: {  	[sflag:s22] =	ssyncadd.s32 s3;
	_ =	sdelay $0x1  }
0xa1: {  	s23 =	simm.s32 $0x1B8B  }
0xa2: {  	_ =	swait.ge [sflag:s23], $0x1  }
0xa3: {  	[sflag:s23] =	ssyncset.done $0x0  }
0xa4: {  	s25 =	simm.s32 $0x1B8E;
	s24 =	sld [smem:$0x3FFE];
	[sflag:s23] =	ssyncadd.s32 $0xFFFFFFFF  }
0xa5: {  	s26 =	simm.s32 $execute0_lowered;
	[smem:$0x3FD2] =	sst s25  }
0xa6: {  	s4 =	sshll.u32 s26, $0x1;
	_ =	strace $0x80000046;
	[dreg:$0x1] =	wrdreg $0xFFFFFFFF  }
0xa7: {  	s28 =	simm.s32 $_size_execute0_lowered;
	s2 =	sadd.s32 s2, s4;
	[dreg:$0x0] =	wrdreg $0x0  }
0xa8: {  	s4 =	sshll.u32 s28, $0x1;
	[dreg:$0x2] =	wrdreg s2  }
0xa9: {  	[dreg:$0x3] =	wrdreg s4  }
0xaa: {  	[dreg:$0x4] =	wrdreg $0xC0  }
0xab: {  	_ =	task [dreg:s6], $0x5FFFF  }
0xac: {  	[dreg:$0x1] =	wrdreg $0xFFFFFFFF  }
0xad: {  	[dreg:$0x0] =	wrdreg $0x60  }
0xae: {  	[dreg:$0x2] =	wrdreg s24  }
0xaf: {  	[dreg:$0x3] =	wrdreg $0x9  }
0xb0: {  	_ =	task.clear_ibuf [dreg:s6], $0x4FFFF;
	_ =	strace $0x90000046  }
0xb1: {  	s29 =	simm.s32 $0x9;
	_ =	strace $0x80000048  }
0xb2: {  	_ =	swait.ge [sflag:s29], $0x1  }
0xb3: {  	[sflag:s29] =	ssyncadd.s32 $0xFFFFFFFF  }
0xb4: {  	_ =	strace $0x90000048  }
0xb5: {  	_ =	sfence  }
0xb6: {  	s30 =	sld [smem:$0x0];
	_ =	sdelay $0x2  }
0xb7: {  	s31 =	sshll.u32 s1, $0xD;
	s1 =	sshrl.u32 s1, $0x2  }
0xb8: {  	s3 =	sand.u32 $0x4000, s31;
	s1 =	sadd.s32 s1, s30  }
0xb9: {  	s0 =	sor.u32 s3, s0;
	s1 =	sshll.u32 s1, $0x11  }
0xba: {  	s0 =	sor.u32 s1, s0  }
0xbb: {  	s0 =	sadd.s32 $0x8F2B, s0  }
0xbc: {  	[sflag:s0] =	ssyncadd.remote.s32 $0x1  }
0xbd: {  	_ =	sfence.sel $0xFFFF  }
0xbe: {  	[dreg:$0x0] =	wrdreg $0xFFFFFFFF;
	(pc) =	sbr.abs _section_cstart, $3  }
0xbf: {  	[dreg:$0x1] =	wrdreg $0xFFFFFFFF  }
0xc0: {  	_ =	task.clear_ibuf [dreg:s6], $0x2FFFF;
	_ =	strace $0x9FFFFFFF  }
0xc1: {  	(tm) =	ssettm $0x7FFFFFFF  }
tec
execute0_lowered:
.L_overlay_start_1:
0x0: {  	(tag) =	ssettag $0x1  }
0x1: {  	s1 =	srdreg.scid  }
0x2: {  	s0 =	stileid.u32;
	s14 =	sand.u32 $0x1, s1  }
0x3: {  	s8 =	rddreg [dreg:$0x0];
	s3 =	sshll.u32 s0, $0xF;
	s4 =	sshll.u32 s14, $0xE  }
0x4: {  	s2 =	simm.s32 $0x0;
	s1 =	rddreg [dreg:$0x1];
	s13 =	sor.u32 s4, s3  }
0x5: {  	[smem:$0x7FF] =	sst s2;
	s15 =	sadd.s32 $0x12C00, s8;
	s3 =	sshrl.u32 s13, $0x3  }
0x6: {  	_ =	strace $0x80000047;
	s4 =	sadd.s32 s15, s3;
	s3 =	simm.s32 $0x2  }
0x7: {  	[tilespmem:s2], [sflag:$0x2] =	stream.linear.gather [hbm4b:s4+s2], $0x1000, $0x38;
	[tilespmem:$0x11000] =	vst v63  }
0x8: {  	_ =	swait.ge [sflag:s3], $0x1000  }
0x9: {  	s6 =	simm.s32 $0x1000;
	[sflag:s3] =	ssyncset.done $0x0  }
0xa: {  	s7 =	simm.s32 $0x1;
	s5 =	sadd.s32 $0xAC00, s8;
	[sflag:s3] =	ssyncadd.s32 $0xFFFFF000  }
0xb: {  	[tilespmem:s6], [sflag:$0x1] =	stream.indirect.gather [hbm4b:s5+s6], $0x10, s2, s6, $0xb8;
	[tilespmem:$0x11000] =	vst v63  }
0xc: {  	_ =	swait.ge [sflag:s7], $0x10000  }
0xd: {  	s16 =	sadd.s32 $0x22C00, s8;
	s29 =	sshll.u32 s13, $0x1;
	[sflag:s7] =	ssyncset.done $0x0  }
0xe: {  	s8 =	sadd.s32 s16, s29;
	[sflag:s7] =	ssyncadd.s32 $0xFFFF0000  }
0xf: {  	[hbm4b:s8+s2] =	stream.linear.scatter [tilespmem:s6], [sflag:$0x2], $0x10000, $0x38;
	[tilespmem:$0x11000] =	vst v63  }
0x10: {  	s10 =	sor.u32 $0x1000, s13;
	_ =	swait.ge [sflag:s3], $0x10000  }
0x11: {  	s9 =	sshrl.u32 s10, $0x3;
	[sflag:s3] =	ssyncset.done $0x0  }
0x12: {  	s9 =	sadd.s32 s15, s9;
	[sflag:s3] =	ssyncadd.s32 $0xFFFF0000  }
0x13: {  	[tilespmem:s2], [sflag:$0x2] =	stream.linear.gather [hbm4b:s9+s2], $0x1000, $0x38;
	[tilespmem:$0x11000] =	vst v63  }
0x14: {  	_ =	swait.ge [sflag:s3], $0x1000  }
0x15: {  	[sflag:s3] =	ssyncset.done $0x0  }
0x16: {  	[sflag:s3] =	ssyncadd.s32 $0xFFFFF000  }
0x17: {  	[tilespmem:s6], [sflag:$0x1] =	stream.indirect.gather [hbm4b:s5+s6], $0x10, s2, s6, $0xb8;
	[tilespmem:$0x11000] =	vst v63  }
0x18: {  	_ =	swait.ge [sflag:s7], $0x10000  }
0x19: {  	s10 =	sshll.u32 s10, $0x1;
	[sflag:s7] =	ssyncset.done $0x0  }
0x1a: {  	s10 =	sadd.s32 s16, s10;
	[sflag:s7] =	ssyncadd.s32 $0xFFFF0000  }
0x1b: {  	[hbm4b:s10+s2] =	stream.linear.scatter [tilespmem:s6], [sflag:$0x2], $0x10000, $0x38;
	[tilespmem:$0x11000] =	vst v63  }
0x1c: {  	s12 =	sor.u32 $0x2000, s13;
	_ =	swait.ge [sflag:s3], $0x10000  }
0x1d: {  	s11 =	sshrl.u32 s12, $0x3;
	[sflag:s3] =	ssyncset.done $0x0  }
0x1e: {  	s11 =	sadd.s32 s15, s11;
	[sflag:s3] =	ssyncadd.s32 $0xFFFF0000  }
0x1f: {  	[tilespmem:s2], [sflag:$0x2] =	stream.linear.gather [hbm4b:s11+s2], $0x1000, $0x38;
	[tilespmem:$0x11000] =	vst v63  }
0x20: {  	_ =	swait.ge [sflag:s3], $0x1000  }
0x21: {  	[sflag:s3] =	ssyncset.done $0x0  }
0x22: {  	[sflag:s3] =	ssyncadd.s32 $0xFFFFF000  }
0x23: {  	[tilespmem:s6], [sflag:$0x1] =	stream.indirect.gather [hbm4b:s5+s6], $0x10, s2, s6, $0xb8;
	[tilespmem:$0x11000] =	vst v63  }
0x24: {  	_ =	swait.ge [sflag:s7], $0x10000  }
0x25: {  	s12 =	sshll.u32 s12, $0x1;
	[sflag:s7] =	ssyncset.done $0x0  }
0x26: {  	s12 =	sadd.s32 s16, s12;
	[sflag:s7] =	ssyncadd.s32 $0xFFFF0000  }
0x27: {  	[hbm4b:s12+s2] =	stream.linear.scatter [tilespmem:s6], [sflag:$0x2], $0x10000, $0x38;
	[tilespmem:$0x11000] =	vst v63  }
0x28: {  	s17 =	sor.u32 $0x3000, s13;
	_ =	swait.ge [sflag:s3], $0x10000  }
0x29: {  	s13 =	sshrl.u32 s17, $0x3;
	[sflag:s3] =	ssyncset.done $0x0  }
0x2a: {  	s14 =	ssub.s32 $0x2, s14;
	s13 =	sadd.s32 s15, s13;
	[sflag:s3] =	ssyncadd.s32 $0xFFFF0000  }
0x2b: {  	[tilespmem:s2], [sflag:$0x2] =	stream.linear.gather [hbm4b:s13+s2], $0x1000, $0x38;
	[tilespmem:$0x11000] =	vst v63  }
0x2c: {  	s30 =	sshrl.u32 s14, $0x1;
	_ =	swait.ge [sflag:s3], $0x1000  }
0x2d: {  	s15 =	ssub.s32 s14, s30;
	[sflag:s3] =	ssyncset.done $0x0  }
0x2e: {  	s15 =	smax.u32 s15, $0x1;
	[sflag:s3] =	ssyncadd.s32 $0xFFFFF000  }
0x2f: {  	[tilespmem:s6], [sflag:$0x1] =	stream.indirect.gather [hbm4b:s5+s6], $0x10, s2, s6, $0xb8;
	[tilespmem:$0x11000] =	vst v63  }
0x30: {  	p0 =	sne.s32 s15, $0x1;
	_ =	swait.ge [sflag:s7], $0x10000  }
.Ltmp0:
0x31: {  	s31 =	sshll.u32 s17, $0x1;
	[sflag:s7] =	ssyncset.done $0x0;
	(pc) =	sbr.rel @!p0 .LBB2_2-.Ltmp0, $4  }
0x32: {  	s14 =	sadd.s32 s16, s31;
	[sflag:s7] =	ssyncadd.s32 $0xFFFF0000  }
0x33: {  	[hbm4b:s14+s2] =	stream.linear.scatter [tilespmem:s6], [sflag:$0x2], $0x10000, $0x38;
	[tilespmem:$0x11000] =	vst v63  }
0x34: {  	_ =	swait.ge [sflag:s3], $0x10000  }
0x35: {  	s15 =	sadd.s32 $0xFFFFFFFF, s15;
	[sflag:s3] =	ssyncset.done $0x0  }
.LBB2_1:
0x36: {  	p0 =	sne.s32 s15, $0x1;
	s15 =	sadd.s32 $0xFFFFFFFF, s15;
	[sflag:s3] =	ssyncadd.s32 $0xFFFF0000  }
0x37: {  	[tilespmem:s2], [sflag:$0x2] =	stream.linear.gather [hbm4b:s4+s2], $0x1000, $0x38;
	[tilespmem:$0x11000] =	vst v63  }
0x38: {  	_ =	swait.ge [sflag:s3], $0x1000  }
0x39: {  	[sflag:s3] =	ssyncset.done $0x0  }
0x3a: {  	[sflag:s3] =	ssyncadd.s32 $0xFFFFF000  }
0x3b: {  	[tilespmem:s6], [sflag:$0x1] =	stream.indirect.gather [hbm4b:s5+s6], $0x10, s2, s6, $0xb8;
	[tilespmem:$0x11000] =	vst v63  }
0x3c: {  	_ =	swait.ge [sflag:s7], $0x10000  }
0x3d: {  	[sflag:s7] =	ssyncset.done $0x0  }
0x3e: {  	[sflag:s7] =	ssyncadd.s32 $0xFFFF0000  }
0x3f: {  	[hbm4b:s8+s2] =	stream.linear.scatter [tilespmem:s6], [sflag:$0x2], $0x10000, $0x38;
	[tilespmem:$0x11000] =	vst v63  }
0x40: {  	_ =	swait.ge [sflag:s3], $0x10000  }
0x41: {  	[sflag:s3] =	ssyncset.done $0x0  }
0x42: {  	[sflag:s3] =	ssyncadd.s32 $0xFFFF0000  }
0x43: {  	[tilespmem:s2], [sflag:$0x2] =	stream.linear.gather [hbm4b:s9+s2], $0x1000, $0x38;
	[tilespmem:$0x11000] =	vst v63  }
0x44: {  	_ =	swait.ge [sflag:s3], $0x1000  }
0x45: {  	[sflag:s3] =	ssyncset.done $0x0  }
0x46: {  	[sflag:s3] =	ssyncadd.s32 $0xFFFFF000  }
0x47: {  	[tilespmem:s6], [sflag:$0x1] =	stream.indirect.gather [hbm4b:s5+s6], $0x10, s2, s6, $0xb8;
	[tilespmem:$0x11000] =	vst v63  }
0x48: {  	_ =	swait.ge [sflag:s7], $0x10000  }
0x49: {  	[sflag:s7] =	ssyncset.done $0x0  }
0x4a: {  	[sflag:s7] =	ssyncadd.s32 $0xFFFF0000  }
0x4b: {  	[hbm4b:s10+s2] =	stream.linear.scatter [tilespmem:s6], [sflag:$0x2], $0x10000, $0x38;
	[tilespmem:$0x11000] =	vst v63  }
0x4c: {  	_ =	swait.ge [sflag:s3], $0x10000  }
0x4d: {  	[sflag:s3] =	ssyncset.done $0x0  }
0x4e: {  	[sflag:s3] =	ssyncadd.s32 $0xFFFF0000  }
0x4f: {  	[tilespmem:s2], [sflag:$0x2] =	stream.linear.gather [hbm4b:s11+s2], $0x1000, $0x38;
	[tilespmem:$0x11000] =	vst v63  }
0x50: {  	_ =	swait.ge [sflag:s3], $0x1000  }
0x51: {  	[sflag:s3] =	ssyncset.done $0x0  }
0x52: {  	[sflag:s3] =	ssyncadd.s32 $0xFFFFF000  }
0x53: {  	[tilespmem:s6], [sflag:$0x1] =	stream.indirect.gather [hbm4b:s5+s6], $0x10, s2, s6, $0xb8;
	[tilespmem:$0x11000] =	vst v63  }
0x54: {  	_ =	swait.ge [sflag:s7], $0x10000  }
0x55: {  	[sflag:s7] =	ssyncset.done $0x0  }
0x56: {  	[sflag:s7] =	ssyncadd.s32 $0xFFFF0000  }
0x57: {  	[hbm4b:s12+s2] =	stream.linear.scatter [tilespmem:s6], [sflag:$0x2], $0x10000, $0x38;
	[tilespmem:$0x11000] =	vst v63  }
0x58: {  	_ =	swait.ge [sflag:s3], $0x10000  }
0x59: {  	[sflag:s3] =	ssyncset.done $0x0  }
0x5a: {  	[sflag:s3] =	ssyncadd.s32 $0xFFFF0000  }
0x5b: {  	[tilespmem:s2], [sflag:$0x2] =	stream.linear.gather [hbm4b:s13+s2], $0x1000, $0x38;
	[tilespmem:$0x11000] =	vst v63  }
0x5c: {  	_ =	swait.ge [sflag:s3], $0x1000  }
0x5d: {  	[sflag:s3] =	ssyncset.done $0x0  }
0x5e: {  	[sflag:s3] =	ssyncadd.s32 $0xFFFFF000  }
0x5f: {  	[tilespmem:s6], [sflag:$0x1] =	stream.indirect.gather [hbm4b:s5+s6], $0x10, s2, s6, $0xb8;
	[tilespmem:$0x11000] =	vst v63  }
0x60: {  	_ =	swait.ge [sflag:s7], $0x10000  }
.Ltmp1:
0x61: {  	[sflag:s7] =	ssyncset.done $0x0;
	(pc) =	sbr.rel @p0 .LBB2_1-.Ltmp1, $4  }
0x62: {  	[sflag:s7] =	ssyncadd.s32 $0xFFFF0000  }
0x63: {  	[hbm4b:s14+s2] =	stream.linear.scatter [tilespmem:s6], [sflag:$0x2], $0x10000, $0x38;
	[tilespmem:$0x11000] =	vst v63  }
0x64: {  	_ =	swait.ge [sflag:s3], $0x10000  }
0x65: {  	[sflag:s3] =	ssyncset.done $0x0  }
.LBB2_2:
0x66: {  	[sflag:s3] =	ssyncadd.s32 $0xFFFF0000  }
0x67: {  	_ =	sfence.sel $0x180000  }
0x68: {  	[bflag:$0x0] =	sbarrier.arrive $0xFFFF  }
0x69: {  	p0 =	sne.s32 s0, $0x0;
	_ =	strace $0x90000047  }
0x6a: {  	s0 =	sadd.s32 @!p0 $0x100000, s1;
	[bflag:$0x2] =	sbarrier.arrive $0xFFFF  }
0x6b: {  	[sflag:s0] =	ssyncadd.tile.s32 @!p0 $0x1;
	_ =	shalt  }
.Lfunc_end2:
_tile_overlayer_lowered:
.L_overlay_start_2:
0x6c: {  	(tag) =	ssettag $0x2  }
0x6d: {  	s0 =	rddreg [dreg:$0x0];
	s2 =	stileid.u32  }
0x6e: {  	s1 =	rddreg [dreg:$0x1];
	p0 =	sne.s32 s2, $0x0  }
0x6f: {  	s3 =	rddreg [dreg:$0x2];
	[bflag:$0x3] =	sbarrier.arrive $0xFFFF;
	s2 =	simm.s32 @!p0 $0x1C02  }
0x70: {  	[timem:s3], [sflag:s2] =	dma.local @!p0 [hbm:s0], s1  }
0x71: {  	s0 =	simm.s32 @!p0 $0x2  }
0x72: {  	_ =	swait.ge @!p0 [sflag:s0], s1  }
0x73: {  	s1 =	ssub.s32 @!p0 $0x0, s1;
	[sflag:s0] =	ssyncset.done @!p0 $0x0  }
0x74: {  	[sflag:s0] =	ssyncadd.s32 @!p0 s1  }
0x75: {  	[bflag:$0x3] =	sbarrier.arrive $0xFFFF  }
0x76: {  	_ =	shalt  }

// kernel: sparse-core-data-format-call.cloned.1.call-start
scs
called_computation_lowered:
.L_overlay_start_0:
0x0: {  	s1 =	sld [smem:$0x3FD9]  }
0x1: {  	s2 =	sld [smem:$0x3FFE];
	_ =	sdelay $0x1  }
0x2: {  	s3 =	srdreg.scid  }
0x3: {  	s0 =	sand.u32 $0x1, s3  }
0x4: {  	s17 =	sshll.u32 s0, $0xA;
	s1 =	sadd.s32 s2, s1  }
0x5: {  	s1 =	sadd.s32 s1, s17  }
0x6: {  	[smem:$0x3FB7] =	sst s1  }
0x7: {  	_ = 	snop  }
0x8: {  	(tm) =	ssettm $0x1  }
0x9: {  	s18 =	sld [smem:$0x3FFB];
	_ =	sdelay $0x3  }
0xa: {  	_ =	strace s18  }
0xb: {  	s1 =	sld [smem:$0x3FFC];
	_ =	sdelay $0x3  }
0xc: {  	_ =	strace s1  }
0xd: {  	s1 =	sld [smem:$0x3FFD];
	_ =	sdelay $0x3  }
0xe: {  	_ =	strace s1  }
0xf: {  	_ =	strace $0x8FFFFFFF  }
0x10: {  	s19 =	sld [smem:$0x3FDB];
	_ =	sdelay $0x1  }
0x11: {  	s20 =	simm.s32 $_scs_section_size  }
0x12: {  	s4 =	simm.s32 $_size__tile_overlayer_lowered;
	s5 =	simm.s32 $_tile_overlayer_lowered  }
0x13: {  	s23 =	simm.s32 $0x1BFF;
	s22 =	sshll.u32 s5, $0x1;
	s1 =	sadd.s32 s20, s19  }
0x14: {  	s6 =	simm.s32 $0x0;
	s21 =	sshll.u32 s4, $0x1;
	s4 =	sadd.s32 s22, s1  }
0x15: {  	[timem:s6], [sflag:s23] =	dma.local [hbm:s4], s21  }
0x16: {  	_ =	swait.ge [sflag:s23], s21  }
0x17: {  	s2 =	ssub.s32 $0x0, s21;
	[sflag:s23] =	ssyncset.done $0x0  }
0x18: {  	[sflag:s23] =	ssyncadd.s32 s2;
	_ =	sdelay $0x1  }
0x19: {  	s24 =	simm.s32 $0x1B8B  }
0x1a: {  	_ =	swait.ge [sflag:s24], $0x1  }
0x1b: {  	[sflag:s24] =	ssyncset.done $0x0  }
0x1c: {  	s26 =	simm.s32 $0x1B8E;
	s25 =	sld [smem:$0x3FFE];
	[sflag:s24] =	ssyncadd.s32 $0xFFFFFFFF  }
0x1d: {  	s27 =	simm.s32 $execute0_lowered;
	[smem:$0x3FD2] =	sst s26  }
0x1e: {  	s4 =	sshll.u32 s27, $0x1;
	_ =	strace $0x80000049;
	[dreg:$0x1] =	wrdreg $0xFFFFFFFF  }
0x1f: {  	s28 =	simm.s32 $_size_execute0_lowered;
	s1 =	sadd.s32 s1, s4;
	[dreg:$0x0] =	wrdreg $0x0  }
0x20: {  	s4 =	sshll.u32 s28, $0x1;
	[dreg:$0x2] =	wrdreg s1  }
0x21: {  	[dreg:$0x3] =	wrdreg s4  }
0x22: {  	[dreg:$0x4] =	wrdreg $0xC0  }
0x23: {  	_ =	task [dreg:s6], $0x5FFFF  }
0x24: {  	[dreg:$0x1] =	wrdreg $0xFFFFFFFF  }
0x25: {  	[dreg:$0x0] =	wrdreg $0x60  }
0x26: {  	[dreg:$0x2] =	wrdreg s25  }
0x27: {  	[dreg:$0x3] =	wrdreg $0x9  }
0x28: {  	_ =	task.clear_ibuf [dreg:s6], $0x4FFFF;
	_ =	strace $0x90000049  }
0x29: {  	s29 =	simm.s32 $0x9;
	_ =	strace $0x8000004B  }
0x2a: {  	_ =	swait.ge [sflag:s29], $0x1  }
0x2b: {  	[sflag:s29] =	ssyncadd.s32 $0xFFFFFFFF  }
0x2c: {  	_ =	strace $0x9000004B  }
0x2d: {  	_ =	sfence  }
0x2e: {  	s30 =	sld [smem:$0x0];
	_ =	sdelay $0x2  }
0x2f: {  	s31 =	sshll.u32 s3, $0xD;
	s3 =	sshrl.u32 s3, $0x2  }
0x30: {  	s2 =	sand.u32 $0x4000, s31;
	s1 =	sadd.s32 s3, s30  }
0x31: {  	s0 =	sor.u32 s2, s0;
	s1 =	sshll.u32 s1, $0x11  }
0x32: {  	s0 =	sor.u32 s1, s0  }
0x33: {  	s0 =	sadd.s32 $0x8F2B, s0  }
0x34: {  	[sflag:s0] =	ssyncadd.remote.s32 $0x1  }
0x35: {  	_ =	sfence.sel $0xFFFF  }
0x36: {  	[dreg:$0x0] =	wrdreg $0xFFFFFFFF;
	(pc) =	sbr.abs _section_cstart, $3  }
0x37: {  	[dreg:$0x1] =	wrdreg $0xFFFFFFFF  }
0x38: {  	_ =	task.clear_ibuf [dreg:s6], $0x2FFFF;
	_ =	strace $0x9FFFFFFF  }
0x39: {  	(tm) =	ssettm $0x7FFFFFFF  }
tec
execute0_lowered:
.L_overlay_start_1:
0x0: {  	(tag) =	ssettag $0x1  }
0x1: {  	s14 =	rddreg [dreg:$0x0];
	s2 =	srdreg.scid  }
0x2: {  	s0 =	rddreg [dreg:$0x1];
	s1 =	stileid.u32;
	_ =	strace $0x8000004A  }
0x3: {  	s5 =	simm.s32 $0x1;
	s7 =	simm.s32 $0x2;
	s10 =	simm.s32 $0x1  }
0x4: {  	s21 =	simm.s32 $0x0;
	s16 =	simm.s32 $0x4000;
	s22 =	simm.s32 $0x0  }
0x5: {  	s23 =	simm.s32 $0x0;
	s17 =	simm.s32 $0x0;
	s3 =	sshll.u32 s2, $0x4  }
0x6: {  	s20 =	simm.s32 $0x0;
	s2 =	sadd.s32 $0x122C00, s14;
	s4 =	sor.u32 s1, s3  }
0x7: {  	[sflag:s5] =	ssyncpa.u1 $0x0;
	s6 =	sand.u32 $0x7, s1;
	s4 =	sand.u32 $0x18, s4  }
0x8: {  	s12 =	sadd.s32 $0x14AC00, s14;
	s13 =	sadd.s32 $0x152C00, s14;
	s8 =	ssub.s32 $0x20, s4  }
0x9: {  	s3 =	sadd.s32 $0xAC00, s14;
	[sflag:s7] =	ssyncpa.u1 $0x0;
	s31 =	sand.u32 $0x18, s8  }
.Ltmp0:
0xa: {  	s7 =	sadd.s32 $0x12AC00, s14;
	p0 =	sne.s32 s31, $0x0;
	(pc) =	sbr.rel .LBB1_1-.Ltmp0, $4  }
0xb: {  	s19 =	smov.u32 s6;
	s9 =	sshrl.u32 s8, $0x5;
	s10 =	simm.s32 @!p0 $0x0  }
0xc: {  	s18 =	smov.u32 s4;
	s8 =	sadd.s32 $0x132C00, s14;
	s11 =	sadd.s32 s10, s9  }
0xd: {  	p0 =	por $0x0, $0x0;
	s9 =	sadd.s32 $0x13AC00, s14;
	s11 =	sshll.u32 s11, $0x4  }
0xe: {  	s10 =	sadd.s32 $0x142C00, s14;
	s14 =	sadd.s32 $0x15AC00, s14;
	s15 =	sor.u32 $0x1, s11  }
.LBB1_7:
0xf: {  	s24 =	sadd.s32 $0x80, s17  }
0x10: {  	s21 =	sadd.s32 $0x20, s18;
	s25 =	smov.u32 s18;
	p2 =	sgt.s32 s24, $0x7FF  }
0x11: {  	s25 =	smov.u32 @p2 s21  }
0x12: {  	s27 =	smov.u32 s19;
	s21 =	sadd.s32 $0x8, s19;
	p3 =	sgt.s32 s25, $0x1F  }
0x13: {  	s27 =	smov.u32 @p3 s21  }
0x14: {  	s24 =	simm.s32 @p2 $0x0;
	p2 =	sgt.s32 s27, $0x7  }
0x15: {  	p1 =	slt.u32 s20, $0x2;
	s27 =	smov.u32 @p2 s6;
	p2 =	sne.s32 s20, s15  }
.Ltmp1:
0x16: {  	s26 =	simm.s32 @!p1 $0x2;
	(pc) =	sbr.rel @!p2 .LBB1_8-.Ltmp1, $4  }
0x17: {  	s22 =	smov.u32 s18;
	s23 =	smov.u32 s19;
	_ =	swait.ge @!p1 [sflag:s26], $0x4000  }
0x18: {  	p0 =	por !p0, !p0;
	[sflag:s26] =	ssyncset.done @!p1 $0x0;
	s25 =	smov.u32 @p3 s4  }
0x19: {  	s21 =	smov.u32 s17;
	[sflag:s26] =	ssyncadd.s32 @!p1 $0xFFFFC000;
	s17 =	smov.u32 s24  }
0x1a: {  	s18 =	smov.u32 s25;
	s20 =	sadd.s32 $0x1, s20;
	s19 =	smov.u32 s27  }
.LBB1_1:
0x1b: {  	p1 =	sge.u32 s20, s11  }
0x1c: {  	s24 =	sxor.u32 @!p1 $0xFFFFFFFF, s20;
	s25 =	sshll.u32 @!p1 s19, $0x14;
	s26 =	sshll.u32 @!p1 s18, $0xF  }
0x1d: {  	s28 =	sshll.u32 @!p1 s17, $0x4;
	s29 =	simm.s32 @!p1 $0x10;
	s27 =	sadd.s32 @!p1 s25, s26  }
0x1e: {  	s24 =	sshll.u32 @!p1 s24, $0xE;
	s28 =	sand.u32 @!p1 $0x7FF0, s28;
	s27 =	sadd.s32 @!p1 s2, s27  }
0x1f: {  	s30 =	simm.s32 @!p1 $0x80;
	s24 =	sand.u32 @!p1 $0x4000, s24;
	s27 =	sadd.s32 @!p1 s28, s27  }
0x20: {  	[tilespmem:s24], [sflag:$0x1] =	stream.strided.gather @!p1 [hbm4b:s27+s29], $0x800, s30, s29, $0x38;
	[tilespmem:$0x10100] =	vst v63  }
0x21: {  	s27 =	sadd.s32 @!p1 s25, s7  }
0x22: {  	s27 =	sadd.s32 @!p1 s26, s27  }
0x23: {  	s31 =	sor.u32 @!p1 $0x800, s24;
	s27 =	sadd.s32 @!p1 s28, s27  }
0x24: {  	[tilespmem:s31], [sflag:$0x1] =	stream.strided.gather @!p1 [hbm4b:s27+s29], $0x800, s30, s29, $0x38;
	[tilespmem:$0x10100] =	vst v63  }
0x25: {  	s27 =	sadd.s32 @!p1 s25, s8  }
0x26: {  	s27 =	sadd.s32 @!p1 s26, s27  }
0x27: {  	s31 =	sor.u32 @!p1 $0x1000, s24;
	s27 =	sadd.s32 @!p1 s28, s27  }
0x28: {  	[tilespmem:s31], [sflag:$0x1] =	stream.strided.gather @!p1 [hbm4b:s27+s29], $0x800, s30, s29, $0x38;
	[tilespmem:$0x10100] =	vst v63  }
0x29: {  	s27 =	sadd.s32 @!p1 s25, s9  }
0x2a: {  	s27 =	sadd.s32 @!p1 s26, s27  }
0x2b: {  	s31 =	sor.u32 @!p1 $0x1800, s24;
	s27 =	sadd.s32 @!p1 s28, s27  }
0x2c: {  	[tilespmem:s31], [sflag:$0x1] =	stream.strided.gather @!p1 [hbm4b:s27+s29], $0x800, s30, s29, $0x38;
	[tilespmem:$0x10100] =	vst v63  }
0x2d: {  	s27 =	sadd.s32 @!p1 s25, s10  }
0x2e: {  	s27 =	sadd.s32 @!p1 s26, s27  }
0x2f: {  	s31 =	sor.u32 @!p1 $0x2000, s24;
	s27 =	sadd.s32 @!p1 s28, s27  }
0x30: {  	[tilespmem:s31], [sflag:$0x1] =	stream.strided.gather @!p1 [hbm4b:s27+s29], $0x800, s30, s29, $0x38;
	[tilespmem:$0x10100] =	vst v63  }
0x31: {  	s27 =	sadd.s32 @!p1 s25, s12  }
0x32: {  	s27 =	sadd.s32 @!p1 s26, s27  }
0x33: {  	s31 =	sor.u32 @!p1 $0x2800, s24;
	s27 =	sadd.s32 @!p1 s28, s27  }
0x34: {  	[tilespmem:s31], [sflag:$0x1] =	stream.strided.gather @!p1 [hbm4b:s27+s29], $0x800, s30, s29, $0x38;
	[tilespmem:$0x10100] =	vst v63  }
0x35: {  	s27 =	sadd.s32 @!p1 s25, s13  }
0x36: {  	s25 =	sadd.s32 @!p1 s25, s14;
	s27 =	sadd.s32 @!p1 s26, s27  }
0x37: {  	s31 =	sor.u32 @!p1 $0x3000, s24;
	s25 =	sadd.s32 @!p1 s26, s25;
	s27 =	sadd.s32 @!p1 s28, s27  }
0x38: {  	[tilespmem:s31], [sflag:$0x1] =	stream.strided.gather @!p1 [hbm4b:s27+s29], $0x800, s30, s29, $0x38;
	[tilespmem:$0x10100] =	vst v63  }
0x39: {  	s24 =	sor.u32 @!p1 $0x3800, s24;
	s25 =	sadd.s32 @!p1 s28, s25;
	s31 =	sadd.s32 $0xFFFFFFFF, s20  }
0x3a: {  	[tilespmem:s24], [sflag:$0x1] =	stream.strided.gather @!p1 [hbm4b:s25+s29], $0x800, s30, s29, $0x38;
	[tilespmem:$0x10100] =	vst v63  }
0x3b: {  	p1 =	sge.u32 s31, s11  }
.Ltmp2:
0x3c: {  	_ = 	snop;
	(pc) =	sbr.rel @p1 .LBB1_7-.Ltmp2, $1  }
0x3d: {  	_ =	sdelay $0x3  }
0x3e: {  	s24 =	simm.s32 $0x1;
	s26 =	sand.u32 $0x1, s20  }
0x3f: {  	_ =	swait.ge [sflag:s5], $0x4000;
	s24 =	simm.s32 @!p0 $0x0;
	s27 =	smul.u32 $0x10200, s26  }
0x40: {  	[sflag:s5] =	ssyncset.done $0x0;
	s25 =	smul.u32 $0x10200, s24  }
0x41: {  	s24 =	sshll.u32 s24, $0xE;
	[sflag:s5] =	ssyncadd.s32 $0xFFFFC000  }
0x42: {  	s26 =	sor.u32 $0x40, s24;
	s31 =	sshrl.u32 s27, $0x2;
	s25 =	sshrl.u32 s25, $0x2  }
0x43: {  	s27 =	simm.s32 $0x0;
	s24 =	sor.u32 $0x8000, s31;
	s25 =	sor.u32 $0x8007, s25  }
.LBB1_3:
0x44: {  	v3 =	vld [tilespmem:s26+$0x30]  }
0x45: {  	v4 =	vld [tilespmem:s26+$0xFFFFFFD0]  }
0x46: {  	v5 =	vld [tilespmem:s26+$0xFFFFFFE0]  }
0x47: {  	v1 =	vld [tilespmem:s26+$0xFFFFFFF0]  }
0x48: {  	v0 =	vld [tilespmem:s26+$0x0]  }
0x49: {  	v2 =	vld [tilespmem:s26+$0x10];
	[tilespmem:s25+$0x0 ss:$0x81] =	vst.msk $0xffff, v3  }
0x4a: {  	[tilespmem:s25+$0xFFFFFFFA ss:$0x81] =	vst.msk $0xffff, v4;
	v4 =	vld [tilespmem:s26+$0x20]  }
0x4b: {  	s29 =	simm.s32 $0x0;
	s30 =	sadd.s32 $0x80, s26;
	s28 =	smov.u32 s25;
	v3 =	vld [tilespmem:s26+$0xFFFFFFC0];
	[tilespmem:s25+$0xFFFFFFFB ss:$0x81] =	vst.msk $0xffff, v5  }
.LBB1_4:
0x4c: {  	v5 =	vld [tilespmem:s30+$0x30];
	s29 =	sadd.s32 $0x8, s29;
	[tilespmem:s28+$0xFFFFFFFC ss:$0x81] =	vst.msk $0xffff, v1  }
0x4d: {  	v6 =	vld [tilespmem:s30+$0xFFFFFFD0];
	p1 =	slt.u32 s29, $0x78;
	[tilespmem:s28+$0xFFFFFFFD ss:$0x81] =	vst.msk $0xffff, v0  }
0x4e: {  	v7 =	vld [tilespmem:s30+$0xFFFFFFE0];
	[tilespmem:s28+$0xFFFFFFFE ss:$0x81] =	vst.msk $0xffff, v2  }
.Ltmp3:
0x4f: {  	v1 =	vld [tilespmem:s30+$0xFFFFFFF0];
	[tilespmem:s28+$0xFFFFFFFF ss:$0x81] =	vst.msk $0xffff, v4;
	(pc) =	sbr.rel @p1 .LBB1_4-.Ltmp3, $4  }
0x50: {  	v0 =	vld [tilespmem:s30+$0x0];
	[tilespmem:s28+$0xFFFFFFF9 ss:$0x81] =	vst.msk $0xffff, v3;
	s28 =	sadd.s32 $0x8, s28  }
0x51: {  	v2 =	vld [tilespmem:s30+$0x10];
	[tilespmem:s28+$0x0 ss:$0x81] =	vst.msk $0xffff, v5  }
0x52: {  	[tilespmem:s28+$0xFFFFFFFA ss:$0x81] =	vst.msk $0xffff, v6;
	v4 =	vld [tilespmem:s30+$0x20]  }
0x53: {  	v3 =	vld [tilespmem:s30+$0xFFFFFFC0];
	[tilespmem:s28+$0xFFFFFFFB ss:$0x81] =	vst.msk $0xffff, v7;
	s30 =	sadd.s32 $0x80, s30  }
0x54: {  	s27 =	sadd.s32 $0x1, s27  }
0x55: {  	p1 =	sne.s32 s27, $0x8  }
.Ltmp4:
0x56: {  	[tilespmem:s28+$0xFFFFFFFC ss:$0x81] =	vst.msk $0xffff, v1;
	(pc) =	sbr.rel @p1 .LBB1_3-.Ltmp4, $4  }
0x57: {  	[tilespmem:s28+$0xFFFFFFFD ss:$0x81] =	vst.msk $0xffff, v0  }
0x58: {  	[tilespmem:s28+$0xFFFFFFFE ss:$0x81] =	vst.msk $0xffff, v2  }
0x59: {  	[tilespmem:s28+$0xFFFFFFFF ss:$0x81] =	vst.msk $0xffff, v4  }
0x5a: {  	s25 =	sadd.s32 $0x810, s25;
	s26 =	sadd.s32 $0x800, s26;
	[tilespmem:s28+$0xFFFFFFF9 ss:$0x81] =	vst.msk $0xffff, v3  }
0x5b: {  	s25 =	sshll.u32 s21, $0x3;
	s26 =	sand.u32 $0x78, s21  }
0x5c: {  	s23 =	sshll.u32 s23, $0x11;
	s22 =	sshll.u32 s22, $0xC;
	s29 =	sand.u32 $0xF00, s21  }
.Ltmp5:
0x5d: {  	s25 =	sand.u32 $0x400, s25;
	s23 =	sadd.s32 s3, s23;
	(pc) =	sbr.rel .LBB1_7-.Ltmp5, $4  }
0x5e: {  	s30 =	sand.u32 $0x7, s21;
	s25 =	sor.u32 s26, s25;
	s22 =	sadd.s32 s22, s23  }
0x5f: {  	s21 =	sshll.u32 s30, $0x12;
	s31 =	sshrl.u32 s25, $0x3;
	s22 =	sadd.s32 s29, s22  }
0x60: {  	s21 =	sor.u32 $0x400, s21;
	s22 =	sadd.s32 s31, s22  }
0x61: {  	[hbm4b:s22+s21] =	stream.strided.scatter [tilespmem:s24], [sflag:$0x2], $0x4000, s16, s21, $0x20;
	[tilespmem:$0x10100] =	vst v63  }
.LBB1_8:
0x62: {  	_ =	sfence.sel $0x180000  }
0x63: {  	s2 =	simm.s32 $0x1;
	[bflag:$0x0] =	sbarrier.arrive $0xFFFF  }
0x64: {  	s31 =	simm.s32 $0x2;
	[sflag:s2] =	ssyncpa.u1 $0x1  }
0x65: {  	[sflag:s31] =	ssyncpa.u1 $0x1  }
0x66: {  	p0 =	sne.s32 s1, $0x0;
	_ =	strace $0x9000004A  }
0x67: {  	s0 =	sadd.s32 @!p0 $0x100000, s0;
	[bflag:$0x2] =	sbarrier.arrive $0xFFFF  }
0x68: {  	[sflag:s0] =	ssyncadd.tile.s32 @!p0 $0x1;
	_ =	shalt  }
.Lfunc_end1:
_tile_overlayer_lowered:
.L_overlay_start_2:
0x69: {  	(tag) =	ssettag $0x2  }
0x6a: {  	s0 =	rddreg [dreg:$0x0];
	s2 =	stileid.u32  }
0x6b: {  	s1 =	rddreg [dreg:$0x1];
	p0 =	sne.s32 s2, $0x0  }
0x6c: {  	s3 =	rddreg [dreg:$0x2];
	[bflag:$0x3] =	sbarrier.arrive $0xFFFF;
	s2 =	simm.s32 @!p0 $0x1C01  }
0x6d: {  	[timem:s3], [sflag:s2] =	dma.local @!p0 [hbm:s0], s1  }
0x6e: {  	s0 =	simm.s32 @!p0 $0x1  }
0x6f: {  	_ =	swait.ge @!p0 [sflag:s0], s1  }
0x70: {  	s1 =	ssub.s32 @!p0 $0x0, s1;
	[sflag:s0] =	ssyncset.done @!p0 $0x0  }
0x71: {  	[sflag:s0] =	ssyncadd.s32 @!p0 s1  }
0x72: {  	[bflag:$0x3] =	sbarrier.arrive $0xFFFF  }
0x73: {  	_ =	shalt  }

</sc_bundles>
